<compile_context>
chip_gen: v7x
topology: tpu7x:2x2x1
jax: 0.10.2.dev20260603
libtpu: 0.0.44.dev20260713+nightly
codegen_flags: <defaults>
</compile_context>

<pallas_src>
import functools

import jax
import jax.numpy as jnp
from jax import lax
from jax.experimental import pallas as pl
from jax.experimental.pallas import tpu as pltpu
from jax.experimental.pallas import tpu_sc as plsc

_NC = 2
_NS = 16
_NW = _NC * _NS


def _build_gather(B: int, V: int, E: int, C: int, S: int):
    assert B % (_NW * C) == 0 and C % 8 == 0
    b_per_w = B // _NW
    nchunks = b_per_w // C
    assert nchunks % S == 0 and nchunks >= 2 * S

    mesh = plsc.VectorSubcoreMesh(core_axis_name="c", subcore_axis_name="s")

    @functools.partial(
        pl.kernel,
        out_type=jax.ShapeDtypeStruct((B, E), jnp.float32),
        mesh=mesh,
        compiler_params=pltpu.CompilerParams(use_tc_tiling_on_sc=False),
        scratch_types=(
            [pltpu.VMEM((C,), jnp.int32) for _ in range(S)]
            + [pltpu.VMEM((C, E), jnp.float32) for _ in range(S)]
            + [pltpu.SemaphoreType.DMA for _ in range(3 * S)]
            + [pltpu.VMEM_SHARED((V, E), jnp.float32)]
        ),
    )
    def gather(idx_hbm, table_hbm, out_hbm, *refs):
        idx_v = refs[0:S]
        rows_v = refs[S:2 * S]
        sem_i = refs[2 * S:3 * S]
        sem_g = refs[3 * S:4 * S]
        sem_o = refs[4 * S:5 * S]
        table_sh = refs[5 * S]
        sid = lax.axis_index("s")
        wid = sid * _NC + lax.axis_index("c")
        base = wid * b_per_w

        @pl.when(sid == 0)
        def _():
            pltpu.sync_copy(table_hbm, table_sh)

        plsc.subcore_barrier()

        def start_idx(g, b):
            pltpu.make_async_copy(
                idx_hbm.at[pl.ds(base + g * C, C)], idx_v[b], sem_i[b]
            ).start()

        def wait_idx(b):
            pltpu.make_async_copy(
                idx_hbm.at[pl.ds(base, C)], idx_v[b], sem_i[b]
            ).wait()

        def start_gather(b):
            pltpu.make_async_copy(
                table_sh.at[idx_v[b]], rows_v[b], sem_g[b]
            ).start()

        def wait_gather(b):
            pltpu.make_async_copy(
                table_sh.at[idx_v[b]], rows_v[b], sem_g[b]
            ).wait()

        def start_out(g, b):
            pltpu.make_async_copy(
                rows_v[b], out_hbm.at[pl.ds(base + g * C, C)], sem_o[b]
            ).start()

        def wait_out(b):
            pltpu.make_async_copy(
                rows_v[b], out_hbm.at[pl.ds(base, C)], sem_o[b]
            ).wait()

        def do_step(g, b, first=False, last=False):
            br = (b + 1) % S
            if not first:
                wait_out(b)
            wait_idx(b)
            start_gather(b)
            wait_gather(br)
            if not last:
                start_idx(g + 1, br)
            start_out(g - S + 1, br)

        for g in range(S):
            start_idx(g, g)
        for g in range(S - 1):
            wait_idx(g)
            start_gather(g)

        do_step(S - 1, S - 1, first=True)

        def loop_body(i, _):
            for o in range(S):
                do_step(i * S + o, o)
            return _

        lax.fori_loop(1, nchunks // S - 1, loop_body, 0, unroll=False)

        for g in range((nchunks // S - 1) * S, nchunks):
            do_step(g, g % S, last=(g == nchunks - 1))
        for q in range(nchunks - S + 1, nchunks):
            wait_gather(q % S)
            start_out(q, q % S)
        for b in range(S):
            wait_out(b)

    return gather


def kernel(p, table):
    N, D = p.shape
    V, E = table.shape
    flat = _build_gather(N * D, V, E, C=400, S=4)(p.reshape(N * D), table)
    return flat.reshape(N, D * E)

# --- scband reference (transcript-rebuilt; emitter-appended) ---
"""Pipeline reference for scband-chunkwise-positional-embedding-60404420051017 (READ-ONLY COPY).

The authoritative reference and input builder live on the scoring server;
editing this copy changes nothing except your own understanding.
"""

import jax, jax.numpy as jnp
import numpy as np

MAX_POSITIONS = 2048
EMBED_DIM = 64
CHUNK_SIZE = 1


def setup_inputs(seed: int = 0) -> dict:
    key = jax.random.key(seed)
    k1, k2 = jax.random.split(key)
    p = jax.random.randint(k1, (4096, 200), 0, MAX_POSITIONS, dtype=jnp.int32)
    # learned positional embedding table, init ~ N(0, 0.02)
    table = jax.random.normal(k2, (MAX_POSITIONS, EMBED_DIM), dtype=jnp.float32) * 0.02
    return {"p": p, "table": table}


def reference(p, table):
    D = p.shape[-1]
    orig_shape = tuple(p.shape[:-1])
    n_chunks = D // CHUNK_SIZE
    p2 = p.reshape(-1, n_chunks, CHUNK_SIZE)
    # embedding lookup: gather rows of the table
    pe = jnp.take(table, p2, axis=0)  # [N, n_chunks, chunk_size, embed_dim]
    pe = pe.reshape(orig_shape + (EMBED_DIM * n_chunks,))
    return pe

if __name__ == "__main__":
    import jax
    _d = setup_inputs()
    print(jax.jit(kernel)(*tuple(_d.values())))

</pallas_src>

<mosaic_0001>
#map = affine_map<(d0, d1) -> (0)>
#map1 = affine_map<(d0, d1) -> (0, 0)>
module attributes {stable_mosaic.version = 14 : i64} {
  func.func @gather(%arg0: i32, %arg1: i32, %arg2: memref<819200xi32, #tpu.memory_space<hbm>>, %arg3: memref<2048x64xf32, #tpu.memory_space<hbm>>, %arg4: memref<819200x64xf32, #tpu.memory_space<hbm>>, %arg5: memref<400xi32, #tpu.memory_space<vmem>>, %arg6: memref<400xi32, #tpu.memory_space<vmem>>, %arg7: memref<400xi32, #tpu.memory_space<vmem>>, %arg8: memref<400xi32, #tpu.memory_space<vmem>>, %arg9: memref<400x64xf32, #tpu.memory_space<vmem>>, %arg10: memref<400x64xf32, #tpu.memory_space<vmem>>, %arg11: memref<400x64xf32, #tpu.memory_space<vmem>>, %arg12: memref<400x64xf32, #tpu.memory_space<vmem>>, %arg13: memref<!tpu.dma_semaphore, #tpu.memory_space<semaphore_mem>>, %arg14: memref<!tpu.dma_semaphore, #tpu.memory_space<semaphore_mem>>, %arg15: memref<!tpu.dma_semaphore, #tpu.memory_space<semaphore_mem>>, %arg16: memref<!tpu.dma_semaphore, #tpu.memory_space<semaphore_mem>>, %arg17: memref<!tpu.dma_semaphore, #tpu.memory_space<semaphore_mem>>, %arg18: memref<!tpu.dma_semaphore, #tpu.memory_space<semaphore_mem>>, %arg19: memref<!tpu.dma_semaphore, #tpu.memory_space<semaphore_mem>>, %arg20: memref<!tpu.dma_semaphore, #tpu.memory_space<semaphore_mem>>, %arg21: memref<!tpu.dma_semaphore, #tpu.memory_space<semaphore_mem>>, %arg22: memref<!tpu.dma_semaphore, #tpu.memory_space<semaphore_mem>>, %arg23: memref<!tpu.dma_semaphore, #tpu.memory_space<semaphore_mem>>, %arg24: memref<!tpu.dma_semaphore, #tpu.memory_space<semaphore_mem>>, %arg25: memref<2048x64xf32, #tpu.memory_space<vmem_shared>>) attributes {dimension_semantics = [#tpu.dimension_semantics<core_parallel>, #tpu.dimension_semantics<subcore_parallel>], iteration_bounds = array<i64: 2, 16>, scalar_prefetch = 0 : i64, scratch_operands = 21 : i64, tpu.core_type = #tpu.core_type<sc_vector_subcore>, window_params = [{transform_indices = #map}, {transform_indices = #map1}, {transform_indices = #map1}]} {
    %mul3A = arith.constant 2 : i32
    %mul3A_0 = arith.muli %arg1, %mul3A : i32
    %add3A = arith.addi %mul3A_0, %arg0 : i32
    %mul3A_1 = arith.constant 25600 : i32
    %mul3A_2 = arith.muli %add3A, %mul3A_1 : i32
    %eq3A = arith.constant 0 : i32
    %eq3A_3 = arith.cmpi eq, %arg1, %eq3A : i32
    %convert_element_type3A = arith.extui %eq3A_3 : i1 to i32
    %cond3A = arith.constant 0 : i32
    %cond3A_4 = arith.cmpi ne, %convert_element_type3A, %cond3A : i32
    scf.if %cond3A_4 {
      "tpu.region"() ({
        %run_scoped3A = tpu.sem_alloc : memref<!tpu.dma_semaphore, #tpu.memory_space<semaphore_mem>>
        tpu.enqueue_dma source(%arg3 : memref<2048x64xf32, #tpu.memory_space<hbm>>) target(%arg25 : memref<2048x64xf32, #tpu.memory_space<vmem_shared>>) target_semaphore(%run_scoped3A : memref<!tpu.dma_semaphore, #tpu.memory_space<semaphore_mem>>)
        tpu.wait_dma2 semaphore(%run_scoped3A : memref<!tpu.dma_semaphore, #tpu.memory_space<semaphore_mem>>) src(%arg3 : memref<2048x64xf32, #tpu.memory_space<hbm>>) dst(%arg25 : memref<2048x64xf32, #tpu.memory_space<vmem_shared>>)
        tpu.yield
      }) : () -> ()
    } else {
    }
    %barrier3A = arith.constant 0 : index
    tpu.barrier barrier_id(%barrier3A)
    %add3A_5 = arith.constant 0 : i32
    %add3A_6 = arith.addi %mul3A_2, %add3A_5 : i32
    %dma_start3A = tpu.memref_slice %arg2[%add3A_6] : memref<819200xi32, #tpu.memory_space<hbm>> -> memref<400xi32, #tpu.memory_space<hbm>>
    %dma_start3A_7 = tpu.memref_slice %arg2[%add3A_6] : memref<819200xi32, #tpu.memory_space<hbm>> -> memref<400xi32, #tpu.memory_space<hbm>>
    tpu.enqueue_dma source(%dma_start3A_7 : memref<400xi32, #tpu.memory_space<hbm>>) target(%arg5 : memref<400xi32, #tpu.memory_space<vmem>>) target_semaphore(%arg13 : memref<!tpu.dma_semaphore, #tpu.memory_space<semaphore_mem>>)
    %add3A_8 = arith.constant 400 : i32
    %add3A_9 = arith.addi %mul3A_2, %add3A_8 : i32
    %dma_start3A_10 = tpu.memref_slice %arg2[%add3A_9] : memref<819200xi32, #tpu.memory_space<hbm>> -> memref<400xi32, #tpu.memory_space<hbm>>
    %dma_start3A_11 = tpu.memref_slice %arg2[%add3A_9] : memref<819200xi32, #tpu.memory_space<hbm>> -> memref<400xi32, #tpu.memory_space<hbm>>
    tpu.enqueue_dma source(%dma_start3A_11 : memref<400xi32, #tpu.memory_space<hbm>>) target(%arg6 : memref<400xi32, #tpu.memory_space<vmem>>) target_semaphore(%arg14 : memref<!tpu.dma_semaphore, #tpu.memory_space<semaphore_mem>>)
    %add3A_12 = arith.constant 800 : i32
    %add3A_13 = arith.addi %mul3A_2, %add3A_12 : i32
    %dma_start3A_14 = tpu.memref_slice %arg2[%add3A_13] : memref<819200xi32, #tpu.memory_space<hbm>> -> memref<400xi32, #tpu.memory_space<hbm>>
    %dma_start3A_15 = tpu.memref_slice %arg2[%add3A_13] : memref<819200xi32, #tpu.memory_space<hbm>> -> memref<400xi32, #tpu.memory_space<hbm>>
    tpu.enqueue_dma source(%dma_start3A_15 : memref<400xi32, #tpu.memory_space<hbm>>) target(%arg7 : memref<400xi32, #tpu.memory_space<vmem>>) target_semaphore(%arg15 : memref<!tpu.dma_semaphore, #tpu.memory_space<semaphore_mem>>)
    %add3A_16 = arith.constant 1200 : i32
    %add3A_17 = arith.addi %mul3A_2, %add3A_16 : i32
    %dma_start3A_18 = tpu.memref_slice %arg2[%add3A_17] : memref<819200xi32, #tpu.memory_space<hbm>> -> memref<400xi32, #tpu.memory_space<hbm>>
    %dma_start3A_19 = tpu.memref_slice %arg2[%add3A_17] : memref<819200xi32, #tpu.memory_space<hbm>> -> memref<400xi32, #tpu.memory_space<hbm>>
    tpu.enqueue_dma source(%dma_start3A_19 : memref<400xi32, #tpu.memory_space<hbm>>) target(%arg8 : memref<400xi32, #tpu.memory_space<vmem>>) target_semaphore(%arg16 : memref<!tpu.dma_semaphore, #tpu.memory_space<semaphore_mem>>)
    %dma_wait3A = tpu.memref_slice %arg2[%mul3A_2] : memref<819200xi32, #tpu.memory_space<hbm>> -> memref<400xi32, #tpu.memory_space<hbm>>
    %dma_wait3A_20 = tpu.memref_slice %arg2[%mul3A_2] : memref<819200xi32, #tpu.memory_space<hbm>> -> memref<400xi32, #tpu.memory_space<hbm>>
    tpu.wait_dma2 semaphore(%arg13 : memref<!tpu.dma_semaphore, #tpu.memory_space<semaphore_mem>>) src(%dma_wait3A_20 : memref<400xi32, #tpu.memory_space<hbm>>) dst(%arg5 : memref<400xi32, #tpu.memory_space<vmem>>)
    %dma_start3A_21 = arith.constant 0 : i32
    %dma_start3A_22 = arith.constant 0 : i32
    %dma_start3A_23 = tpu.memref_slice %arg25[%dma_start3A_21, %dma_start3A_22] : memref<2048x64xf32, #tpu.memory_space<vmem_shared>> -> memref<2048x64xf32, #tpu.memory_space<vmem_shared>>
    tpu.enqueue_indirect_dma source(%dma_start3A_23 : memref<2048x64xf32, #tpu.memory_space<vmem_shared>>) target(%arg9 : memref<400x64xf32, #tpu.memory_space<vmem>>) offsets(%arg5 : memref<400xi32, #tpu.memory_space<vmem>>) semaphore(%arg17 : memref<!tpu.dma_semaphore, #tpu.memory_space<semaphore_mem>>)
    %dma_wait3A_24 = tpu.memref_slice %arg2[%mul3A_2] : memref<819200xi32, #tpu.memory_space<hbm>> -> memref<400xi32, #tpu.memory_space<hbm>>
    %dma_wait3A_25 = tpu.memref_slice %arg2[%mul3A_2] : memref<819200xi32, #tpu.memory_space<hbm>> -> memref<400xi32, #tpu.memory_space<hbm>>
    tpu.wait_dma2 semaphore(%arg14 : memref<!tpu.dma_semaphore, #tpu.memory_space<semaphore_mem>>) src(%dma_wait3A_25 : memref<400xi32, #tpu.memory_space<hbm>>) dst(%arg6 : memref<400xi32, #tpu.memory_space<vmem>>)
    %dma_start3A_26 = arith.constant 0 : i32
    %dma_start3A_27 = arith.constant 0 : i32
    %dma_start3A_28 = tpu.memref_slice %arg25[%dma_start3A_26, %dma_start3A_27] : memref<2048x64xf32, #tpu.memory_space<vmem_shared>> -> memref<2048x64xf32, #tpu.memory_space<vmem_shared>>
    tpu.enqueue_indirect_dma source(%dma_start3A_28 : memref<2048x64xf32, #tpu.memory_space<vmem_shared>>) target(%arg10 : memref<400x64xf32, #tpu.memory_space<vmem>>) offsets(%arg6 : memref<400xi32, #tpu.memory_space<vmem>>) semaphore(%arg18 : memref<!tpu.dma_semaphore, #tpu.memory_space<semaphore_mem>>)
    %dma_wait3A_29 = tpu.memref_slice %arg2[%mul3A_2] : memref<819200xi32, #tpu.memory_space<hbm>> -> memref<400xi32, #tpu.memory_space<hbm>>
    %dma_wait3A_30 = tpu.memref_slice %arg2[%mul3A_2] : memref<819200xi32, #tpu.memory_space<hbm>> -> memref<400xi32, #tpu.memory_space<hbm>>
    tpu.wait_dma2 semaphore(%arg15 : memref<!tpu.dma_semaphore, #tpu.memory_space<semaphore_mem>>) src(%dma_wait3A_30 : memref<400xi32, #tpu.memory_space<hbm>>) dst(%arg7 : memref<400xi32, #tpu.memory_space<vmem>>)
    %dma_start3A_31 = arith.constant 0 : i32
    %dma_start3A_32 = arith.constant 0 : i32
    %dma_start3A_33 = tpu.memref_slice %arg25[%dma_start3A_31, %dma_start3A_32] : memref<2048x64xf32, #tpu.memory_space<vmem_shared>> -> memref<2048x64xf32, #tpu.memory_space<vmem_shared>>
    tpu.enqueue_indirect_dma source(%dma_start3A_33 : memref<2048x64xf32, #tpu.memory_space<vmem_shared>>) target(%arg11 : memref<400x64xf32, #tpu.memory_space<vmem>>) offsets(%arg7 : memref<400xi32, #tpu.memory_space<vmem>>) semaphore(%arg19 : memref<!tpu.dma_semaphore, #tpu.memory_space<semaphore_mem>>)
    %dma_wait3A_34 = tpu.memref_slice %arg2[%mul3A_2] : memref<819200xi32, #tpu.memory_space<hbm>> -> memref<400xi32, #tpu.memory_space<hbm>>
    %dma_wait3A_35 = tpu.memref_slice %arg2[%mul3A_2] : memref<819200xi32, #tpu.memory_space<hbm>> -> memref<400xi32, #tpu.memory_space<hbm>>
    tpu.wait_dma2 semaphore(%arg16 : memref<!tpu.dma_semaphore, #tpu.memory_space<semaphore_mem>>) src(%dma_wait3A_35 : memref<400xi32, #tpu.memory_space<hbm>>) dst(%arg8 : memref<400xi32, #tpu.memory_space<vmem>>)
    %dma_start3A_36 = arith.constant 0 : i32
    %dma_start3A_37 = arith.constant 0 : i32
    %dma_start3A_38 = tpu.memref_slice %arg25[%dma_start3A_36, %dma_start3A_37] : memref<2048x64xf32, #tpu.memory_space<vmem_shared>> -> memref<2048x64xf32, #tpu.memory_space<vmem_shared>>
    tpu.enqueue_indirect_dma source(%dma_start3A_38 : memref<2048x64xf32, #tpu.memory_space<vmem_shared>>) target(%arg12 : memref<400x64xf32, #tpu.memory_space<vmem>>) offsets(%arg8 : memref<400xi32, #tpu.memory_space<vmem>>) semaphore(%arg20 : memref<!tpu.dma_semaphore, #tpu.memory_space<semaphore_mem>>)
    %dma_wait3A_39 = arith.constant 0 : i32
    %dma_wait3A_40 = arith.constant 0 : i32
    %dma_wait3A_41 = tpu.memref_slice %arg25[%dma_wait3A_39, %dma_wait3A_40] : memref<2048x64xf32, #tpu.memory_space<vmem_shared>> -> memref<2048x64xf32, #tpu.memory_space<vmem_shared>>
    tpu.wait_indirect_dma semaphore(%arg17 : memref<!tpu.dma_semaphore, #tpu.memory_space<semaphore_mem>>) src(%dma_wait3A_41 : memref<2048x64xf32, #tpu.memory_space<vmem_shared>>) dst(%arg9 : memref<400x64xf32, #tpu.memory_space<vmem>>)
    %add3A_42 = arith.constant 1600 : i32
    %add3A_43 = arith.addi %mul3A_2, %add3A_42 : i32
    %dma_start3A_44 = tpu.memref_slice %arg2[%add3A_43] : memref<819200xi32, #tpu.memory_space<hbm>> -> memref<400xi32, #tpu.memory_space<hbm>>
    %dma_start3A_45 = tpu.memref_slice %arg2[%add3A_43] : memref<819200xi32, #tpu.memory_space<hbm>> -> memref<400xi32, #tpu.memory_space<hbm>>
    tpu.enqueue_dma source(%dma_start3A_45 : memref<400xi32, #tpu.memory_space<hbm>>) target(%arg5 : memref<400xi32, #tpu.memory_space<vmem>>) target_semaphore(%arg13 : memref<!tpu.dma_semaphore, #tpu.memory_space<semaphore_mem>>)
    %add3A_46 = arith.constant 0 : i32
    %add3A_47 = arith.addi %mul3A_2, %add3A_46 : i32
    %dma_start3A_48 = arith.constant 0 : i32
    %dma_start3A_49 = tpu.memref_slice %arg4[%add3A_47, %dma_start3A_48] : memref<819200x64xf32, #tpu.memory_space<hbm>> -> memref<400x64xf32, #tpu.memory_space<hbm>>
    %dma_start3A_50 = arith.constant 0 : i32
    %dma_start3A_51 = tpu.memref_slice %arg4[%add3A_47, %dma_start3A_50] : memref<819200x64xf32, #tpu.memory_space<hbm>> -> memref<400x64xf32, #tpu.memory_space<hbm>>
    tpu.enqueue_dma source(%arg9 : memref<400x64xf32, #tpu.memory_space<vmem>>) target(%dma_start3A_51 : memref<400x64xf32, #tpu.memory_space<hbm>>) target_semaphore(%arg21 : memref<!tpu.dma_semaphore, #tpu.memory_space<semaphore_mem>>)
    %scan3A = arith.constant 0 : i32
    %scan3A_52 = arith.constant 1 : i32
    %scan3A_53 = arith.constant 14 : i32
    %scan3A_54 = arith.addi %scan3A_52, %scan3A_53 : i32
    %scan3A_55 = arith.constant 1 : i32
    scf.for %scan3A_184 = %scan3A_52 to %scan3A_54 step %scan3A_55  : i32 {
      %mul3A_185 = arith.constant 4 : i32
      %mul3A_186 = arith.muli %scan3A_184, %mul3A_185 : i32
      %add3A_187 = arith.constant 0 : i32
      %add3A_188 = arith.addi %mul3A_186, %add3A_187 : i32
      %dma_wait3A_189 = arith.constant 0 : i32
      %dma_wait3A_190 = tpu.memref_slice %arg4[%mul3A_2, %dma_wait3A_189] : memref<819200x64xf32, #tpu.memory_space<hbm>> -> memref<400x64xf32, #tpu.memory_space<hbm>>
      %dma_wait3A_191 = arith.constant 0 : i32
      %dma_wait3A_192 = tpu.memref_slice %arg4[%mul3A_2, %dma_wait3A_191] : memref<819200x64xf32, #tpu.memory_space<hbm>> -> memref<400x64xf32, #tpu.memory_space<hbm>>
      tpu.wait_dma2 semaphore(%arg21 : memref<!tpu.dma_semaphore, #tpu.memory_space<semaphore_mem>>) src(%arg9 : memref<400x64xf32, #tpu.memory_space<vmem>>) dst(%dma_wait3A_192 : memref<400x64xf32, #tpu.memory_space<hbm>>)
      %dma_wait3A_193 = tpu.memref_slice %arg2[%mul3A_2] : memref<819200xi32, #tpu.memory_space<hbm>> -> memref<400xi32, #tpu.memory_space<hbm>>
      %dma_wait3A_194 = tpu.memref_slice %arg2[%mul3A_2] : memref<819200xi32, #tpu.memory_space<hbm>> -> memref<400xi32, #tpu.memory_space<hbm>>
      tpu.wait_dma2 semaphore(%arg13 : memref<!tpu.dma_semaphore, #tpu.memory_space<semaphore_mem>>) src(%dma_wait3A_194 : memref<400xi32, #tpu.memory_space<hbm>>) dst(%arg5 : memref<400xi32, #tpu.memory_space<vmem>>)
      %dma_start3A_195 = arith.constant 0 : i32
      %dma_start3A_196 = arith.constant 0 : i32
      %dma_start3A_197 = tpu.memref_slice %arg25[%dma_start3A_195, %dma_start3A_196] : memref<2048x64xf32, #tpu.memory_space<vmem_shared>> -> memref<2048x64xf32, #tpu.memory_space<vmem_shared>>
      tpu.enqueue_indirect_dma source(%dma_start3A_197 : memref<2048x64xf32, #tpu.memory_space<vmem_shared>>) target(%arg9 : memref<400x64xf32, #tpu.memory_space<vmem>>) offsets(%arg5 : memref<400xi32, #tpu.memory_space<vmem>>) semaphore(%arg17 : memref<!tpu.dma_semaphore, #tpu.memory_space<semaphore_mem>>)
      %dma_wait3A_198 = arith.constant 0 : i32
      %dma_wait3A_199 = arith.constant 0 : i32
      %dma_wait3A_200 = tpu.memref_slice %arg25[%dma_wait3A_198, %dma_wait3A_199] : memref<2048x64xf32, #tpu.memory_space<vmem_shared>> -> memref<2048x64xf32, #tpu.memory_space<vmem_shared>>
      tpu.wait_indirect_dma semaphore(%arg18 : memref<!tpu.dma_semaphore, #tpu.memory_space<semaphore_mem>>) src(%dma_wait3A_200 : memref<2048x64xf32, #tpu.memory_space<vmem_shared>>) dst(%arg10 : memref<400x64xf32, #tpu.memory_space<vmem>>)
      %add3A_201 = arith.constant 1 : i32
      %add3A_202 = arith.addi %add3A_188, %add3A_201 : i32
      %mul3A_203 = arith.constant 400 : i32
      %mul3A_204 = arith.muli %add3A_202, %mul3A_203 : i32
      %add3A_205 = arith.addi %mul3A_2, %mul3A_204 : i32
      %dma_start3A_206 = tpu.memref_slice %arg2[%add3A_205] : memref<819200xi32, #tpu.memory_space<hbm>> -> memref<400xi32, #tpu.memory_space<hbm>>
      %dma_start3A_207 = tpu.memref_slice %arg2[%add3A_205] : memref<819200xi32, #tpu.memory_space<hbm>> -> memref<400xi32, #tpu.memory_space<hbm>>
      tpu.enqueue_dma source(%dma_start3A_207 : memref<400xi32, #tpu.memory_space<hbm>>) target(%arg6 : memref<400xi32, #tpu.memory_space<vmem>>) target_semaphore(%arg14 : memref<!tpu.dma_semaphore, #tpu.memory_space<semaphore_mem>>)
      %sub3A = arith.constant 4 : i32
      %sub3A_208 = arith.subi %add3A_188, %sub3A : i32
      %add3A_209 = arith.constant 1 : i32
      %add3A_210 = arith.addi %sub3A_208, %add3A_209 : i32
      %mul3A_211 = arith.constant 400 : i32
      %mul3A_212 = arith.muli %add3A_210, %mul3A_211 : i32
      %add3A_213 = arith.addi %mul3A_2, %mul3A_212 : i32
      %dma_start3A_214 = arith.constant 0 : i32
      %dma_start3A_215 = tpu.memref_slice %arg4[%add3A_213, %dma_start3A_214] : memref<819200x64xf32, #tpu.memory_space<hbm>> -> memref<400x64xf32, #tpu.memory_space<hbm>>
      %dma_start3A_216 = arith.constant 0 : i32
      %dma_start3A_217 = tpu.memref_slice %arg4[%add3A_213, %dma_start3A_216] : memref<819200x64xf32, #tpu.memory_space<hbm>> -> memref<400x64xf32, #tpu.memory_space<hbm>>
      tpu.enqueue_dma source(%arg10 : memref<400x64xf32, #tpu.memory_space<vmem>>) target(%dma_start3A_217 : memref<400x64xf32, #tpu.memory_space<hbm>>) target_semaphore(%arg22 : memref<!tpu.dma_semaphore, #tpu.memory_space<semaphore_mem>>)
      %mul3A_218 = arith.constant 4 : i32
      %mul3A_219 = arith.muli %scan3A_184, %mul3A_218 : i32
      %add3A_220 = arith.constant 1 : i32
      %add3A_221 = arith.addi %mul3A_219, %add3A_220 : i32
      %dma_wait3A_222 = arith.constant 0 : i32
      %dma_wait3A_223 = tpu.memref_slice %arg4[%mul3A_2, %dma_wait3A_222] : memref<819200x64xf32, #tpu.memory_space<hbm>> -> memref<400x64xf32, #tpu.memory_space<hbm>>
      %dma_wait3A_224 = arith.constant 0 : i32
      %dma_wait3A_225 = tpu.memref_slice %arg4[%mul3A_2, %dma_wait3A_224] : memref<819200x64xf32, #tpu.memory_space<hbm>> -> memref<400x64xf32, #tpu.memory_space<hbm>>
      tpu.wait_dma2 semaphore(%arg22 : memref<!tpu.dma_semaphore, #tpu.memory_space<semaphore_mem>>) src(%arg10 : memref<400x64xf32, #tpu.memory_space<vmem>>) dst(%dma_wait3A_225 : memref<400x64xf32, #tpu.memory_space<hbm>>)
      %dma_wait3A_226 = tpu.memref_slice %arg2[%mul3A_2] : memref<819200xi32, #tpu.memory_space<hbm>> -> memref<400xi32, #tpu.memory_space<hbm>>
      %dma_wait3A_227 = tpu.memref_slice %arg2[%mul3A_2] : memref<819200xi32, #tpu.memory_space<hbm>> -> memref<400xi32, #tpu.memory_space<hbm>>
      tpu.wait_dma2 semaphore(%arg14 : memref<!tpu.dma_semaphore, #tpu.memory_space<semaphore_mem>>) src(%dma_wait3A_227 : memref<400xi32, #tpu.memory_space<hbm>>) dst(%arg6 : memref<400xi32, #tpu.memory_space<vmem>>)
      %dma_start3A_228 = arith.constant 0 : i32
      %dma_start3A_229 = arith.constant 0 : i32
      %dma_start3A_230 = tpu.memref_slice %arg25[%dma_start3A_228, %dma_start3A_229] : memref<2048x64xf32, #tpu.memory_space<vmem_shared>> -> memref<2048x64xf32, #tpu.memory_space<vmem_shared>>
      tpu.enqueue_indirect_dma source(%dma_start3A_230 : memref<2048x64xf32, #tpu.memory_space<vmem_shared>>) target(%arg10 : memref<400x64xf32, #tpu.memory_space<vmem>>) offsets(%arg6 : memref<400xi32, #tpu.memory_space<vmem>>) semaphore(%arg18 : memref<!tpu.dma_semaphore, #tpu.memory_space<semaphore_mem>>)
      %dma_wait3A_231 = arith.constant 0 : i32
      %dma_wait3A_232 = arith.constant 0 : i32
      %dma_wait3A_233 = tpu.memref_slice %arg25[%dma_wait3A_231, %dma_wait3A_232] : memref<2048x64xf32, #tpu.memory_space<vmem_shared>> -> memref<2048x64xf32, #tpu.memory_space<vmem_shared>>
      tpu.wait_indirect_dma semaphore(%arg19 : memref<!tpu.dma_semaphore, #tpu.memory_space<semaphore_mem>>) src(%dma_wait3A_233 : memref<2048x64xf32, #tpu.memory_space<vmem_shared>>) dst(%arg11 : memref<400x64xf32, #tpu.memory_space<vmem>>)
      %add3A_234 = arith.constant 1 : i32
      %add3A_235 = arith.addi %add3A_221, %add3A_234 : i32
      %mul3A_236 = arith.constant 400 : i32
      %mul3A_237 = arith.muli %add3A_235, %mul3A_236 : i32
      %add3A_238 = arith.addi %mul3A_2, %mul3A_237 : i32
      %dma_start3A_239 = tpu.memref_slice %arg2[%add3A_238] : memref<819200xi32, #tpu.memory_space<hbm>> -> memref<400xi32, #tpu.memory_space<hbm>>
      %dma_start3A_240 = tpu.memref_slice %arg2[%add3A_238] : memref<819200xi32, #tpu.memory_space<hbm>> -> memref<400xi32, #tpu.memory_space<hbm>>
      tpu.enqueue_dma source(%dma_start3A_240 : memref<400xi32, #tpu.memory_space<hbm>>) target(%arg7 : memref<400xi32, #tpu.memory_space<vmem>>) target_semaphore(%arg15 : memref<!tpu.dma_semaphore, #tpu.memory_space<semaphore_mem>>)
      %sub3A_241 = arith.constant 4 : i32
      %sub3A_242 = arith.subi %add3A_221, %sub3A_241 : i32
      %add3A_243 = arith.constant 1 : i32
      %add3A_244 = arith.addi %sub3A_242, %add3A_243 : i32
      %mul3A_245 = arith.constant 400 : i32
      %mul3A_246 = arith.muli %add3A_244, %mul3A_245 : i32
      %add3A_247 = arith.addi %mul3A_2, %mul3A_246 : i32
      %dma_start3A_248 = arith.constant 0 : i32
      %dma_start3A_249 = tpu.memref_slice %arg4[%add3A_247, %dma_start3A_248] : memref<819200x64xf32, #tpu.memory_space<hbm>> -> memref<400x64xf32, #tpu.memory_space<hbm>>
      %dma_start3A_250 = arith.constant 0 : i32
      %dma_start3A_251 = tpu.memref_slice %arg4[%add3A_247, %dma_start3A_250] : memref<819200x64xf32, #tpu.memory_space<hbm>> -> memref<400x64xf32, #tpu.memory_space<hbm>>
      tpu.enqueue_dma source(%arg11 : memref<400x64xf32, #tpu.memory_space<vmem>>) target(%dma_start3A_251 : memref<400x64xf32, #tpu.memory_space<hbm>>) target_semaphore(%arg23 : memref<!tpu.dma_semaphore, #tpu.memory_space<semaphore_mem>>)
      %mul3A_252 = arith.constant 4 : i32
      %mul3A_253 = arith.muli %scan3A_184, %mul3A_252 : i32
      %add3A_254 = arith.constant 2 : i32
      %add3A_255 = arith.addi %mul3A_253, %add3A_254 : i32
      %dma_wait3A_256 = arith.constant 0 : i32
      %dma_wait3A_257 = tpu.memref_slice %arg4[%mul3A_2, %dma_wait3A_256] : memref<819200x64xf32, #tpu.memory_space<hbm>> -> memref<400x64xf32, #tpu.memory_space<hbm>>
      %dma_wait3A_258 = arith.constant 0 : i32
      %dma_wait3A_259 = tpu.memref_slice %arg4[%mul3A_2, %dma_wait3A_258] : memref<819200x64xf32, #tpu.memory_space<hbm>> -> memref<400x64xf32, #tpu.memory_space<hbm>>
      tpu.wait_dma2 semaphore(%arg23 : memref<!tpu.dma_semaphore, #tpu.memory_space<semaphore_mem>>) src(%arg11 : memref<400x64xf32, #tpu.memory_space<vmem>>) dst(%dma_wait3A_259 : memref<400x64xf32, #tpu.memory_space<hbm>>)
      %dma_wait3A_260 = tpu.memref_slice %arg2[%mul3A_2] : memref<819200xi32, #tpu.memory_space<hbm>> -> memref<400xi32, #tpu.memory_space<hbm>>
      %dma_wait3A_261 = tpu.memref_slice %arg2[%mul3A_2] : memref<819200xi32, #tpu.memory_space<hbm>> -> memref<400xi32, #tpu.memory_space<hbm>>
      tpu.wait_dma2 semaphore(%arg15 : memref<!tpu.dma_semaphore, #tpu.memory_space<semaphore_mem>>) src(%dma_wait3A_261 : memref<400xi32, #tpu.memory_space<hbm>>) dst(%arg7 : memref<400xi32, #tpu.memory_space<vmem>>)
      %dma_start3A_262 = arith.constant 0 : i32
      %dma_start3A_263 = arith.constant 0 : i32
      %dma_start3A_264 = tpu.memref_slice %arg25[%dma_start3A_262, %dma_start3A_263] : memref<2048x64xf32, #tpu.memory_space<vmem_shared>> -> memref<2048x64xf32, #tpu.memory_space<vmem_shared>>
      tpu.enqueue_indirect_dma source(%dma_start3A_264 : memref<2048x64xf32, #tpu.memory_space<vmem_shared>>) target(%arg11 : memref<400x64xf32, #tpu.memory_space<vmem>>) offsets(%arg7 : memref<400xi32, #tpu.memory_space<vmem>>) semaphore(%arg19 : memref<!tpu.dma_semaphore, #tpu.memory_space<semaphore_mem>>)
      %dma_wait3A_265 = arith.constant 0 : i32
      %dma_wait3A_266 = arith.constant 0 : i32
      %dma_wait3A_267 = tpu.memref_slice %arg25[%dma_wait3A_265, %dma_wait3A_266] : memref<2048x64xf32, #tpu.memory_space<vmem_shared>> -> memref<2048x64xf32, #tpu.memory_space<vmem_shared>>
      tpu.wait_indirect_dma semaphore(%arg20 : memref<!tpu.dma_semaphore, #tpu.memory_space<semaphore_mem>>) src(%dma_wait3A_267 : memref<2048x64xf32, #tpu.memory_space<vmem_shared>>) dst(%arg12 : memref<400x64xf32, #tpu.memory_space<vmem>>)
      %add3A_268 = arith.constant 1 : i32
      %add3A_269 = arith.addi %add3A_255, %add3A_268 : i32
      %mul3A_270 = arith.constant 400 : i32
      %mul3A_271 = arith.muli %add3A_269, %mul3A_270 : i32
      %add3A_272 = arith.addi %mul3A_2, %mul3A_271 : i32
      %dma_start3A_273 = tpu.memref_slice %arg2[%add3A_272] : memref<819200xi32, #tpu.memory_space<hbm>> -> memref<400xi32, #tpu.memory_space<hbm>>
      %dma_start3A_274 = tpu.memref_slice %arg2[%add3A_272] : memref<819200xi32, #tpu.memory_space<hbm>> -> memref<400xi32, #tpu.memory_space<hbm>>
      tpu.enqueue_dma source(%dma_start3A_274 : memref<400xi32, #tpu.memory_space<hbm>>) target(%arg8 : memref<400xi32, #tpu.memory_space<vmem>>) target_semaphore(%arg16 : memref<!tpu.dma_semaphore, #tpu.memory_space<semaphore_mem>>)
      %sub3A_275 = arith.constant 4 : i32
      %sub3A_276 = arith.subi %add3A_255, %sub3A_275 : i32
      %add3A_277 = arith.constant 1 : i32
      %add3A_278 = arith.addi %sub3A_276, %add3A_277 : i32
      %mul3A_279 = arith.constant 400 : i32
      %mul3A_280 = arith.muli %add3A_278, %mul3A_279 : i32
      %add3A_281 = arith.addi %mul3A_2, %mul3A_280 : i32
      %dma_start3A_282 = arith.constant 0 : i32
      %dma_start3A_283 = tpu.memref_slice %arg4[%add3A_281, %dma_start3A_282] : memref<819200x64xf32, #tpu.memory_space<hbm>> -> memref<400x64xf32, #tpu.memory_space<hbm>>
      %dma_start3A_284 = arith.constant 0 : i32
      %dma_start3A_285 = tpu.memref_slice %arg4[%add3A_281, %dma_start3A_284] : memref<819200x64xf32, #tpu.memory_space<hbm>> -> memref<400x64xf32, #tpu.memory_space<hbm>>
      tpu.enqueue_dma source(%arg12 : memref<400x64xf32, #tpu.memory_space<vmem>>) target(%dma_start3A_285 : memref<400x64xf32, #tpu.memory_space<hbm>>) target_semaphore(%arg24 : memref<!tpu.dma_semaphore, #tpu.memory_space<semaphore_mem>>)
      %mul3A_286 = arith.constant 4 : i32
      %mul3A_287 = arith.muli %scan3A_184, %mul3A_286 : i32
      %add3A_288 = arith.constant 3 : i32
      %add3A_289 = arith.addi %mul3A_287, %add3A_288 : i32
      %dma_wait3A_290 = arith.constant 0 : i32
      %dma_wait3A_291 = tpu.memref_slice %arg4[%mul3A_2, %dma_wait3A_290] : memref<819200x64xf32, #tpu.memory_space<hbm>> -> memref<400x64xf32, #tpu.memory_space<hbm>>
      %dma_wait3A_292 = arith.constant 0 : i32
      %dma_wait3A_293 = tpu.memref_slice %arg4[%mul3A_2, %dma_wait3A_292] : memref<819200x64xf32, #tpu.memory_space<hbm>> -> memref<400x64xf32, #tpu.memory_space<hbm>>
      tpu.wait_dma2 semaphore(%arg24 : memref<!tpu.dma_semaphore, #tpu.memory_space<semaphore_mem>>) src(%arg12 : memref<400x64xf32, #tpu.memory_space<vmem>>) dst(%dma_wait3A_293 : memref<400x64xf32, #tpu.memory_space<hbm>>)
      %dma_wait3A_294 = tpu.memref_slice %arg2[%mul3A_2] : memref<819200xi32, #tpu.memory_space<hbm>> -> memref<400xi32, #tpu.memory_space<hbm>>
      %dma_wait3A_295 = tpu.memref_slice %arg2[%mul3A_2] : memref<819200xi32, #tpu.memory_space<hbm>> -> memref<400xi32, #tpu.memory_space<hbm>>
      tpu.wait_dma2 semaphore(%arg16 : memref<!tpu.dma_semaphore, #tpu.memory_space<semaphore_mem>>) src(%dma_wait3A_295 : memref<400xi32, #tpu.memory_space<hbm>>) dst(%arg8 : memref<400xi32, #tpu.memory_space<vmem>>)
      %dma_start3A_296 = arith.constant 0 : i32
      %dma_start3A_297 = arith.constant 0 : i32
      %dma_start3A_298 = tpu.memref_slice %arg25[%dma_start3A_296, %dma_start3A_297] : memref<2048x64xf32, #tpu.memory_space<vmem_shared>> -> memref<2048x64xf32, #tpu.memory_space<vmem_shared>>
      tpu.enqueue_indirect_dma source(%dma_start3A_298 : memref<2048x64xf32, #tpu.memory_space<vmem_shared>>) target(%arg12 : memref<400x64xf32, #tpu.memory_space<vmem>>) offsets(%arg8 : memref<400xi32, #tpu.memory_space<vmem>>) semaphore(%arg20 : memref<!tpu.dma_semaphore, #tpu.memory_space<semaphore_mem>>)
      %dma_wait3A_299 = arith.constant 0 : i32
      %dma_wait3A_300 = arith.constant 0 : i32
      %dma_wait3A_301 = tpu.memref_slice %arg25[%dma_wait3A_299, %dma_wait3A_300] : memref<2048x64xf32, #tpu.memory_space<vmem_shared>> -> memref<2048x64xf32, #tpu.memory_space<vmem_shared>>
      tpu.wait_indirect_dma semaphore(%arg17 : memref<!tpu.dma_semaphore, #tpu.memory_space<semaphore_mem>>) src(%dma_wait3A_301 : memref<2048x64xf32, #tpu.memory_space<vmem_shared>>) dst(%arg9 : memref<400x64xf32, #tpu.memory_space<vmem>>)
      %add3A_302 = arith.constant 1 : i32
      %add3A_303 = arith.addi %add3A_289, %add3A_302 : i32
      %mul3A_304 = arith.constant 400 : i32
      %mul3A_305 = arith.muli %add3A_303, %mul3A_304 : i32
      %add3A_306 = arith.addi %mul3A_2, %mul3A_305 : i32
      %dma_start3A_307 = tpu.memref_slice %arg2[%add3A_306] : memref<819200xi32, #tpu.memory_space<hbm>> -> memref<400xi32, #tpu.memory_space<hbm>>
      %dma_start3A_308 = tpu.memref_slice %arg2[%add3A_306] : memref<819200xi32, #tpu.memory_space<hbm>> -> memref<400xi32, #tpu.memory_space<hbm>>
      tpu.enqueue_dma source(%dma_start3A_308 : memref<400xi32, #tpu.memory_space<hbm>>) target(%arg5 : memref<400xi32, #tpu.memory_space<vmem>>) target_semaphore(%arg13 : memref<!tpu.dma_semaphore, #tpu.memory_space<semaphore_mem>>)
      %sub3A_309 = arith.constant 4 : i32
      %sub3A_310 = arith.subi %add3A_289, %sub3A_309 : i32
      %add3A_311 = arith.constant 1 : i32
      %add3A_312 = arith.addi %sub3A_310, %add3A_311 : i32
      %mul3A_313 = arith.constant 400 : i32
      %mul3A_314 = arith.muli %add3A_312, %mul3A_313 : i32
      %add3A_315 = arith.addi %mul3A_2, %mul3A_314 : i32
      %dma_start3A_316 = arith.constant 0 : i32
      %dma_start3A_317 = tpu.memref_slice %arg4[%add3A_315, %dma_start3A_316] : memref<819200x64xf32, #tpu.memory_space<hbm>> -> memref<400x64xf32, #tpu.memory_space<hbm>>
      %dma_start3A_318 = arith.constant 0 : i32
      %dma_start3A_319 = tpu.memref_slice %arg4[%add3A_315, %dma_start3A_318] : memref<819200x64xf32, #tpu.memory_space<hbm>> -> memref<400x64xf32, #tpu.memory_space<hbm>>
      tpu.enqueue_dma source(%arg9 : memref<400x64xf32, #tpu.memory_space<vmem>>) target(%dma_start3A_319 : memref<400x64xf32, #tpu.memory_space<hbm>>) target_semaphore(%arg21 : memref<!tpu.dma_semaphore, #tpu.memory_space<semaphore_mem>>)
    }
    %scan3A_56 = arith.constant 14 : i32
    %dma_wait3A_57 = arith.constant 0 : i32
    %dma_wait3A_58 = tpu.memref_slice %arg4[%mul3A_2, %dma_wait3A_57] : memref<819200x64xf32, #tpu.memory_space<hbm>> -> memref<400x64xf32, #tpu.memory_space<hbm>>
    %dma_wait3A_59 = arith.constant 0 : i32
    %dma_wait3A_60 = tpu.memref_slice %arg4[%mul3A_2, %dma_wait3A_59] : memref<819200x64xf32, #tpu.memory_space<hbm>> -> memref<400x64xf32, #tpu.memory_space<hbm>>
    tpu.wait_dma2 semaphore(%arg21 : memref<!tpu.dma_semaphore, #tpu.memory_space<semaphore_mem>>) src(%arg9 : memref<400x64xf32, #tpu.memory_space<vmem>>) dst(%dma_wait3A_60 : memref<400x64xf32, #tpu.memory_space<hbm>>)
    %dma_wait3A_61 = tpu.memref_slice %arg2[%mul3A_2] : memref<819200xi32, #tpu.memory_space<hbm>> -> memref<400xi32, #tpu.memory_space<hbm>>
    %dma_wait3A_62 = tpu.memref_slice %arg2[%mul3A_2] : memref<819200xi32, #tpu.memory_space<hbm>> -> memref<400xi32, #tpu.memory_space<hbm>>
    tpu.wait_dma2 semaphore(%arg13 : memref<!tpu.dma_semaphore, #tpu.memory_space<semaphore_mem>>) src(%dma_wait3A_62 : memref<400xi32, #tpu.memory_space<hbm>>) dst(%arg5 : memref<400xi32, #tpu.memory_space<vmem>>)
    %dma_start3A_63 = arith.constant 0 : i32
    %dma_start3A_64 = arith.constant 0 : i32
    %dma_start3A_65 = tpu.memref_slice %arg25[%dma_start3A_63, %dma_start3A_64] : memref<2048x64xf32, #tpu.memory_space<vmem_shared>> -> memref<2048x64xf32, #tpu.memory_space<vmem_shared>>
    tpu.enqueue_indirect_dma source(%dma_start3A_65 : memref<2048x64xf32, #tpu.memory_space<vmem_shared>>) target(%arg9 : memref<400x64xf32, #tpu.memory_space<vmem>>) offsets(%arg5 : memref<400xi32, #tpu.memory_space<vmem>>) semaphore(%arg17 : memref<!tpu.dma_semaphore, #tpu.memory_space<semaphore_mem>>)
    %dma_wait3A_66 = arith.constant 0 : i32
    %dma_wait3A_67 = arith.constant 0 : i32
    %dma_wait3A_68 = tpu.memref_slice %arg25[%dma_wait3A_66, %dma_wait3A_67] : memref<2048x64xf32, #tpu.memory_space<vmem_shared>> -> memref<2048x64xf32, #tpu.memory_space<vmem_shared>>
    tpu.wait_indirect_dma semaphore(%arg18 : memref<!tpu.dma_semaphore, #tpu.memory_space<semaphore_mem>>) src(%dma_wait3A_68 : memref<2048x64xf32, #tpu.memory_space<vmem_shared>>) dst(%arg10 : memref<400x64xf32, #tpu.memory_space<vmem>>)
    %add3A_69 = arith.constant 24400 : i32
    %add3A_70 = arith.addi %mul3A_2, %add3A_69 : i32
    %dma_start3A_71 = tpu.memref_slice %arg2[%add3A_70] : memref<819200xi32, #tpu.memory_space<hbm>> -> memref<400xi32, #tpu.memory_space<hbm>>
    %dma_start3A_72 = tpu.memref_slice %arg2[%add3A_70] : memref<819200xi32, #tpu.memory_space<hbm>> -> memref<400xi32, #tpu.memory_space<hbm>>
    tpu.enqueue_dma source(%dma_start3A_72 : memref<400xi32, #tpu.memory_space<hbm>>) target(%arg6 : memref<400xi32, #tpu.memory_space<vmem>>) target_semaphore(%arg14 : memref<!tpu.dma_semaphore, #tpu.memory_space<semaphore_mem>>)
    %add3A_73 = arith.constant 22800 : i32
    %add3A_74 = arith.addi %mul3A_2, %add3A_73 : i32
    %dma_start3A_75 = arith.constant 0 : i32
    %dma_start3A_76 = tpu.memref_slice %arg4[%add3A_74, %dma_start3A_75] : memref<819200x64xf32, #tpu.memory_space<hbm>> -> memref<400x64xf32, #tpu.memory_space<hbm>>
    %dma_start3A_77 = arith.constant 0 : i32
    %dma_start3A_78 = tpu.memref_slice %arg4[%add3A_74, %dma_start3A_77] : memref<819200x64xf32, #tpu.memory_space<hbm>> -> memref<400x64xf32, #tpu.memory_space<hbm>>
    tpu.enqueue_dma source(%arg10 : memref<400x64xf32, #tpu.memory_space<vmem>>) target(%dma_start3A_78 : memref<400x64xf32, #tpu.memory_space<hbm>>) target_semaphore(%arg22 : memref<!tpu.dma_semaphore, #tpu.memory_space<semaphore_mem>>)
    %dma_wait3A_79 = arith.constant 0 : i32
    %dma_wait3A_80 = tpu.memref_slice %arg4[%mul3A_2, %dma_wait3A_79] : memref<819200x64xf32, #tpu.memory_space<hbm>> -> memref<400x64xf32, #tpu.memory_space<hbm>>
    %dma_wait3A_81 = arith.constant 0 : i32
    %dma_wait3A_82 = tpu.memref_slice %arg4[%mul3A_2, %dma_wait3A_81] : memref<819200x64xf32, #tpu.memory_space<hbm>> -> memref<400x64xf32, #tpu.memory_space<hbm>>
    tpu.wait_dma2 semaphore(%arg22 : memref<!tpu.dma_semaphore, #tpu.memory_space<semaphore_mem>>) src(%arg10 : memref<400x64xf32, #tpu.memory_space<vmem>>) dst(%dma_wait3A_82 : memref<400x64xf32, #tpu.memory_space<hbm>>)
    %dma_wait3A_83 = tpu.memref_slice %arg2[%mul3A_2] : memref<819200xi32, #tpu.memory_space<hbm>> -> memref<400xi32, #tpu.memory_space<hbm>>
    %dma_wait3A_84 = tpu.memref_slice %arg2[%mul3A_2] : memref<819200xi32, #tpu.memory_space<hbm>> -> memref<400xi32, #tpu.memory_space<hbm>>
    tpu.wait_dma2 semaphore(%arg14 : memref<!tpu.dma_semaphore, #tpu.memory_space<semaphore_mem>>) src(%dma_wait3A_84 : memref<400xi32, #tpu.memory_space<hbm>>) dst(%arg6 : memref<400xi32, #tpu.memory_space<vmem>>)
    %dma_start3A_85 = arith.constant 0 : i32
    %dma_start3A_86 = arith.constant 0 : i32
    %dma_start3A_87 = tpu.memref_slice %arg25[%dma_start3A_85, %dma_start3A_86] : memref<2048x64xf32, #tpu.memory_space<vmem_shared>> -> memref<2048x64xf32, #tpu.memory_space<vmem_shared>>
    tpu.enqueue_indirect_dma source(%dma_start3A_87 : memref<2048x64xf32, #tpu.memory_space<vmem_shared>>) target(%arg10 : memref<400x64xf32, #tpu.memory_space<vmem>>) offsets(%arg6 : memref<400xi32, #tpu.memory_space<vmem>>) semaphore(%arg18 : memref<!tpu.dma_semaphore, #tpu.memory_space<semaphore_mem>>)
    %dma_wait3A_88 = arith.constant 0 : i32
    %dma_wait3A_89 = arith.constant 0 : i32
    %dma_wait3A_90 = tpu.memref_slice %arg25[%dma_wait3A_88, %dma_wait3A_89] : memref<2048x64xf32, #tpu.memory_space<vmem_shared>> -> memref<2048x64xf32, #tpu.memory_space<vmem_shared>>
    tpu.wait_indirect_dma semaphore(%arg19 : memref<!tpu.dma_semaphore, #tpu.memory_space<semaphore_mem>>) src(%dma_wait3A_90 : memref<2048x64xf32, #tpu.memory_space<vmem_shared>>) dst(%arg11 : memref<400x64xf32, #tpu.memory_space<vmem>>)
    %add3A_91 = arith.constant 24800 : i32
    %add3A_92 = arith.addi %mul3A_2, %add3A_91 : i32
    %dma_start3A_93 = tpu.memref_slice %arg2[%add3A_92] : memref<819200xi32, #tpu.memory_space<hbm>> -> memref<400xi32, #tpu.memory_space<hbm>>
    %dma_start3A_94 = tpu.memref_slice %arg2[%add3A_92] : memref<819200xi32, #tpu.memory_space<hbm>> -> memref<400xi32, #tpu.memory_space<hbm>>
    tpu.enqueue_dma source(%dma_start3A_94 : memref<400xi32, #tpu.memory_space<hbm>>) target(%arg7 : memref<400xi32, #tpu.memory_space<vmem>>) target_semaphore(%arg15 : memref<!tpu.dma_semaphore, #tpu.memory_space<semaphore_mem>>)
    %add3A_95 = arith.constant 23200 : i32
    %add3A_96 = arith.addi %mul3A_2, %add3A_95 : i32
    %dma_start3A_97 = arith.constant 0 : i32
    %dma_start3A_98 = tpu.memref_slice %arg4[%add3A_96, %dma_start3A_97] : memref<819200x64xf32, #tpu.memory_space<hbm>> -> memref<400x64xf32, #tpu.memory_space<hbm>>
    %dma_start3A_99 = arith.constant 0 : i32
    %dma_start3A_100 = tpu.memref_slice %arg4[%add3A_96, %dma_start3A_99] : memref<819200x64xf32, #tpu.memory_space<hbm>> -> memref<400x64xf32, #tpu.memory_space<hbm>>
    tpu.enqueue_dma source(%arg11 : memref<400x64xf32, #tpu.memory_space<vmem>>) target(%dma_start3A_100 : memref<400x64xf32, #tpu.memory_space<hbm>>) target_semaphore(%arg23 : memref<!tpu.dma_semaphore, #tpu.memory_space<semaphore_mem>>)
    %dma_wait3A_101 = arith.constant 0 : i32
    %dma_wait3A_102 = tpu.memref_slice %arg4[%mul3A_2, %dma_wait3A_101] : memref<819200x64xf32, #tpu.memory_space<hbm>> -> memref<400x64xf32, #tpu.memory_space<hbm>>
    %dma_wait3A_103 = arith.constant 0 : i32
    %dma_wait3A_104 = tpu.memref_slice %arg4[%mul3A_2, %dma_wait3A_103] : memref<819200x64xf32, #tpu.memory_space<hbm>> -> memref<400x64xf32, #tpu.memory_space<hbm>>
    tpu.wait_dma2 semaphore(%arg23 : memref<!tpu.dma_semaphore, #tpu.memory_space<semaphore_mem>>) src(%arg11 : memref<400x64xf32, #tpu.memory_space<vmem>>) dst(%dma_wait3A_104 : memref<400x64xf32, #tpu.memory_space<hbm>>)
    %dma_wait3A_105 = tpu.memref_slice %arg2[%mul3A_2] : memref<819200xi32, #tpu.memory_space<hbm>> -> memref<400xi32, #tpu.memory_space<hbm>>
    %dma_wait3A_106 = tpu.memref_slice %arg2[%mul3A_2] : memref<819200xi32, #tpu.memory_space<hbm>> -> memref<400xi32, #tpu.memory_space<hbm>>
    tpu.wait_dma2 semaphore(%arg15 : memref<!tpu.dma_semaphore, #tpu.memory_space<semaphore_mem>>) src(%dma_wait3A_106 : memref<400xi32, #tpu.memory_space<hbm>>) dst(%arg7 : memref<400xi32, #tpu.memory_space<vmem>>)
    %dma_start3A_107 = arith.constant 0 : i32
    %dma_start3A_108 = arith.constant 0 : i32
    %dma_start3A_109 = tpu.memref_slice %arg25[%dma_start3A_107, %dma_start3A_108] : memref<2048x64xf32, #tpu.memory_space<vmem_shared>> -> memref<2048x64xf32, #tpu.memory_space<vmem_shared>>
    tpu.enqueue_indirect_dma source(%dma_start3A_109 : memref<2048x64xf32, #tpu.memory_space<vmem_shared>>) target(%arg11 : memref<400x64xf32, #tpu.memory_space<vmem>>) offsets(%arg7 : memref<400xi32, #tpu.memory_space<vmem>>) semaphore(%arg19 : memref<!tpu.dma_semaphore, #tpu.memory_space<semaphore_mem>>)
    %dma_wait3A_110 = arith.constant 0 : i32
    %dma_wait3A_111 = arith.constant 0 : i32
    %dma_wait3A_112 = tpu.memref_slice %arg25[%dma_wait3A_110, %dma_wait3A_111] : memref<2048x64xf32, #tpu.memory_space<vmem_shared>> -> memref<2048x64xf32, #tpu.memory_space<vmem_shared>>
    tpu.wait_indirect_dma semaphore(%arg20 : memref<!tpu.dma_semaphore, #tpu.memory_space<semaphore_mem>>) src(%dma_wait3A_112 : memref<2048x64xf32, #tpu.memory_space<vmem_shared>>) dst(%arg12 : memref<400x64xf32, #tpu.memory_space<vmem>>)
    %add3A_113 = arith.constant 25200 : i32
    %add3A_114 = arith.addi %mul3A_2, %add3A_113 : i32
    %dma_start3A_115 = tpu.memref_slice %arg2[%add3A_114] : memref<819200xi32, #tpu.memory_space<hbm>> -> memref<400xi32, #tpu.memory_space<hbm>>
    %dma_start3A_116 = tpu.memref_slice %arg2[%add3A_114] : memref<819200xi32, #tpu.memory_space<hbm>> -> memref<400xi32, #tpu.memory_space<hbm>>
    tpu.enqueue_dma source(%dma_start3A_116 : memref<400xi32, #tpu.memory_space<hbm>>) target(%arg8 : memref<400xi32, #tpu.memory_space<vmem>>) target_semaphore(%arg16 : memref<!tpu.dma_semaphore, #tpu.memory_space<semaphore_mem>>)
    %add3A_117 = arith.constant 23600 : i32
    %add3A_118 = arith.addi %mul3A_2, %add3A_117 : i32
    %dma_start3A_119 = arith.constant 0 : i32
    %dma_start3A_120 = tpu.memref_slice %arg4[%add3A_118, %dma_start3A_119] : memref<819200x64xf32, #tpu.memory_space<hbm>> -> memref<400x64xf32, #tpu.memory_space<hbm>>
    %dma_start3A_121 = arith.constant 0 : i32
    %dma_start3A_122 = tpu.memref_slice %arg4[%add3A_118, %dma_start3A_121] : memref<819200x64xf32, #tpu.memory_space<hbm>> -> memref<400x64xf32, #tpu.memory_space<hbm>>
    tpu.enqueue_dma source(%arg12 : memref<400x64xf32, #tpu.memory_space<vmem>>) target(%dma_start3A_122 : memref<400x64xf32, #tpu.memory_space<hbm>>) target_semaphore(%arg24 : memref<!tpu.dma_semaphore, #tpu.memory_space<semaphore_mem>>)
    %dma_wait3A_123 = arith.constant 0 : i32
    %dma_wait3A_124 = tpu.memref_slice %arg4[%mul3A_2, %dma_wait3A_123] : memref<819200x64xf32, #tpu.memory_space<hbm>> -> memref<400x64xf32, #tpu.memory_space<hbm>>
    %dma_wait3A_125 = arith.constant 0 : i32
    %dma_wait3A_126 = tpu.memref_slice %arg4[%mul3A_2, %dma_wait3A_125] : memref<819200x64xf32, #tpu.memory_space<hbm>> -> memref<400x64xf32, #tpu.memory_space<hbm>>
    tpu.wait_dma2 semaphore(%arg24 : memref<!tpu.dma_semaphore, #tpu.memory_space<semaphore_mem>>) src(%arg12 : memref<400x64xf32, #tpu.memory_space<vmem>>) dst(%dma_wait3A_126 : memref<400x64xf32, #tpu.memory_space<hbm>>)
    %dma_wait3A_127 = tpu.memref_slice %arg2[%mul3A_2] : memref<819200xi32, #tpu.memory_space<hbm>> -> memref<400xi32, #tpu.memory_space<hbm>>
    %dma_wait3A_128 = tpu.memref_slice %arg2[%mul3A_2] : memref<819200xi32, #tpu.memory_space<hbm>> -> memref<400xi32, #tpu.memory_space<hbm>>
    tpu.wait_dma2 semaphore(%arg16 : memref<!tpu.dma_semaphore, #tpu.memory_space<semaphore_mem>>) src(%dma_wait3A_128 : memref<400xi32, #tpu.memory_space<hbm>>) dst(%arg8 : memref<400xi32, #tpu.memory_space<vmem>>)
    %dma_start3A_129 = arith.constant 0 : i32
    %dma_start3A_130 = arith.constant 0 : i32
    %dma_start3A_131 = tpu.memref_slice %arg25[%dma_start3A_129, %dma_start3A_130] : memref<2048x64xf32, #tpu.memory_space<vmem_shared>> -> memref<2048x64xf32, #tpu.memory_space<vmem_shared>>
    tpu.enqueue_indirect_dma source(%dma_start3A_131 : memref<2048x64xf32, #tpu.memory_space<vmem_shared>>) target(%arg12 : memref<400x64xf32, #tpu.memory_space<vmem>>) offsets(%arg8 : memref<400xi32, #tpu.memory_space<vmem>>) semaphore(%arg20 : memref<!tpu.dma_semaphore, #tpu.memory_space<semaphore_mem>>)
    %dma_wait3A_132 = arith.constant 0 : i32
    %dma_wait3A_133 = arith.constant 0 : i32
    %dma_wait3A_134 = tpu.memref_slice %arg25[%dma_wait3A_132, %dma_wait3A_133] : memref<2048x64xf32, #tpu.memory_space<vmem_shared>> -> memref<2048x64xf32, #tpu.memory_space<vmem_shared>>
    tpu.wait_indirect_dma semaphore(%arg17 : memref<!tpu.dma_semaphore, #tpu.memory_space<semaphore_mem>>) src(%dma_wait3A_134 : memref<2048x64xf32, #tpu.memory_space<vmem_shared>>) dst(%arg9 : memref<400x64xf32, #tpu.memory_space<vmem>>)
    %add3A_135 = arith.constant 24000 : i32
    %add3A_136 = arith.addi %mul3A_2, %add3A_135 : i32
    %dma_start3A_137 = arith.constant 0 : i32
    %dma_start3A_138 = tpu.memref_slice %arg4[%add3A_136, %dma_start3A_137] : memref<819200x64xf32, #tpu.memory_space<hbm>> -> memref<400x64xf32, #tpu.memory_space<hbm>>
    %dma_start3A_139 = arith.constant 0 : i32
    %dma_start3A_140 = tpu.memref_slice %arg4[%add3A_136, %dma_start3A_139] : memref<819200x64xf32, #tpu.memory_space<hbm>> -> memref<400x64xf32, #tpu.memory_space<hbm>>
    tpu.enqueue_dma source(%arg9 : memref<400x64xf32, #tpu.memory_space<vmem>>) target(%dma_start3A_140 : memref<400x64xf32, #tpu.memory_space<hbm>>) target_semaphore(%arg21 : memref<!tpu.dma_semaphore, #tpu.memory_space<semaphore_mem>>)
    %dma_wait3A_141 = arith.constant 0 : i32
    %dma_wait3A_142 = arith.constant 0 : i32
    %dma_wait3A_143 = tpu.memref_slice %arg25[%dma_wait3A_141, %dma_wait3A_142] : memref<2048x64xf32, #tpu.memory_space<vmem_shared>> -> memref<2048x64xf32, #tpu.memory_space<vmem_shared>>
    tpu.wait_indirect_dma semaphore(%arg18 : memref<!tpu.dma_semaphore, #tpu.memory_space<semaphore_mem>>) src(%dma_wait3A_143 : memref<2048x64xf32, #tpu.memory_space<vmem_shared>>) dst(%arg10 : memref<400x64xf32, #tpu.memory_space<vmem>>)
    %add3A_144 = arith.constant 24400 : i32
    %add3A_145 = arith.addi %mul3A_2, %add3A_144 : i32
    %dma_start3A_146 = arith.constant 0 : i32
    %dma_start3A_147 = tpu.memref_slice %arg4[%add3A_145, %dma_start3A_146] : memref<819200x64xf32, #tpu.memory_space<hbm>> -> memref<400x64xf32, #tpu.memory_space<hbm>>
    %dma_start3A_148 = arith.constant 0 : i32
    %dma_start3A_149 = tpu.memref_slice %arg4[%add3A_145, %dma_start3A_148] : memref<819200x64xf32, #tpu.memory_space<hbm>> -> memref<400x64xf32, #tpu.memory_space<hbm>>
    tpu.enqueue_dma source(%arg10 : memref<400x64xf32, #tpu.memory_space<vmem>>) target(%dma_start3A_149 : memref<400x64xf32, #tpu.memory_space<hbm>>) target_semaphore(%arg22 : memref<!tpu.dma_semaphore, #tpu.memory_space<semaphore_mem>>)
    %dma_wait3A_150 = arith.constant 0 : i32
    %dma_wait3A_151 = arith.constant 0 : i32
    %dma_wait3A_152 = tpu.memref_slice %arg25[%dma_wait3A_150, %dma_wait3A_151] : memref<2048x64xf32, #tpu.memory_space<vmem_shared>> -> memref<2048x64xf32, #tpu.memory_space<vmem_shared>>
    tpu.wait_indirect_dma semaphore(%arg19 : memref<!tpu.dma_semaphore, #tpu.memory_space<semaphore_mem>>) src(%dma_wait3A_152 : memref<2048x64xf32, #tpu.memory_space<vmem_shared>>) dst(%arg11 : memref<400x64xf32, #tpu.memory_space<vmem>>)
    %add3A_153 = arith.constant 24800 : i32
    %add3A_154 = arith.addi %mul3A_2, %add3A_153 : i32
    %dma_start3A_155 = arith.constant 0 : i32
    %dma_start3A_156 = tpu.memref_slice %arg4[%add3A_154, %dma_start3A_155] : memref<819200x64xf32, #tpu.memory_space<hbm>> -> memref<400x64xf32, #tpu.memory_space<hbm>>
    %dma_start3A_157 = arith.constant 0 : i32
    %dma_start3A_158 = tpu.memref_slice %arg4[%add3A_154, %dma_start3A_157] : memref<819200x64xf32, #tpu.memory_space<hbm>> -> memref<400x64xf32, #tpu.memory_space<hbm>>
    tpu.enqueue_dma source(%arg11 : memref<400x64xf32, #tpu.memory_space<vmem>>) target(%dma_start3A_158 : memref<400x64xf32, #tpu.memory_space<hbm>>) target_semaphore(%arg23 : memref<!tpu.dma_semaphore, #tpu.memory_space<semaphore_mem>>)
    %dma_wait3A_159 = arith.constant 0 : i32
    %dma_wait3A_160 = arith.constant 0 : i32
    %dma_wait3A_161 = tpu.memref_slice %arg25[%dma_wait3A_159, %dma_wait3A_160] : memref<2048x64xf32, #tpu.memory_space<vmem_shared>> -> memref<2048x64xf32, #tpu.memory_space<vmem_shared>>
    tpu.wait_indirect_dma semaphore(%arg20 : memref<!tpu.dma_semaphore, #tpu.memory_space<semaphore_mem>>) src(%dma_wait3A_161 : memref<2048x64xf32, #tpu.memory_space<vmem_shared>>) dst(%arg12 : memref<400x64xf32, #tpu.memory_space<vmem>>)
    %add3A_162 = arith.constant 25200 : i32
    %add3A_163 = arith.addi %mul3A_2, %add3A_162 : i32
    %dma_start3A_164 = arith.constant 0 : i32
    %dma_start3A_165 = tpu.memref_slice %arg4[%add3A_163, %dma_start3A_164] : memref<819200x64xf32, #tpu.memory_space<hbm>> -> memref<400x64xf32, #tpu.memory_space<hbm>>
    %dma_start3A_166 = arith.constant 0 : i32
    %dma_start3A_167 = tpu.memref_slice %arg4[%add3A_163, %dma_start3A_166] : memref<819200x64xf32, #tpu.memory_space<hbm>> -> memref<400x64xf32, #tpu.memory_space<hbm>>
    tpu.enqueue_dma source(%arg12 : memref<400x64xf32, #tpu.memory_space<vmem>>) target(%dma_start3A_167 : memref<400x64xf32, #tpu.memory_space<hbm>>) target_semaphore(%arg24 : memref<!tpu.dma_semaphore, #tpu.memory_space<semaphore_mem>>)
    %dma_wait3A_168 = arith.constant 0 : i32
    %dma_wait3A_169 = tpu.memref_slice %arg4[%mul3A_2, %dma_wait3A_168] : memref<819200x64xf32, #tpu.memory_space<hbm>> -> memref<400x64xf32, #tpu.memory_space<hbm>>
    %dma_wait3A_170 = arith.constant 0 : i32
    %dma_wait3A_171 = tpu.memref_slice %arg4[%mul3A_2, %dma_wait3A_170] : memref<819200x64xf32, #tpu.memory_space<hbm>> -> memref<400x64xf32, #tpu.memory_space<hbm>>
    tpu.wait_dma2 semaphore(%arg21 : memref<!tpu.dma_semaphore, #tpu.memory_space<semaphore_mem>>) src(%arg9 : memref<400x64xf32, #tpu.memory_space<vmem>>) dst(%dma_wait3A_171 : memref<400x64xf32, #tpu.memory_space<hbm>>)
    %dma_wait3A_172 = arith.constant 0 : i32
    %dma_wait3A_173 = tpu.memref_slice %arg4[%mul3A_2, %dma_wait3A_172] : memref<819200x64xf32, #tpu.memory_space<hbm>> -> memref<400x64xf32, #tpu.memory_space<hbm>>
    %dma_wait3A_174 = arith.constant 0 : i32
    %dma_wait3A_175 = tpu.memref_slice %arg4[%mul3A_2, %dma_wait3A_174] : memref<819200x64xf32, #tpu.memory_space<hbm>> -> memref<400x64xf32, #tpu.memory_space<hbm>>
    tpu.wait_dma2 semaphore(%arg22 : memref<!tpu.dma_semaphore, #tpu.memory_space<semaphore_mem>>) src(%arg10 : memref<400x64xf32, #tpu.memory_space<vmem>>) dst(%dma_wait3A_175 : memref<400x64xf32, #tpu.memory_space<hbm>>)
    %dma_wait3A_176 = arith.constant 0 : i32
    %dma_wait3A_177 = tpu.memref_slice %arg4[%mul3A_2, %dma_wait3A_176] : memref<819200x64xf32, #tpu.memory_space<hbm>> -> memref<400x64xf32, #tpu.memory_space<hbm>>
    %dma_wait3A_178 = arith.constant 0 : i32
    %dma_wait3A_179 = tpu.memref_slice %arg4[%mul3A_2, %dma_wait3A_178] : memref<819200x64xf32, #tpu.memory_space<hbm>> -> memref<400x64xf32, #tpu.memory_space<hbm>>
    tpu.wait_dma2 semaphore(%arg23 : memref<!tpu.dma_semaphore, #tpu.memory_space<semaphore_mem>>) src(%arg11 : memref<400x64xf32, #tpu.memory_space<vmem>>) dst(%dma_wait3A_179 : memref<400x64xf32, #tpu.memory_space<hbm>>)
    %dma_wait3A_180 = arith.constant 0 : i32
    %dma_wait3A_181 = tpu.memref_slice %arg4[%mul3A_2, %dma_wait3A_180] : memref<819200x64xf32, #tpu.memory_space<hbm>> -> memref<400x64xf32, #tpu.memory_space<hbm>>
    %dma_wait3A_182 = arith.constant 0 : i32
    %dma_wait3A_183 = tpu.memref_slice %arg4[%mul3A_2, %dma_wait3A_182] : memref<819200x64xf32, #tpu.memory_space<hbm>> -> memref<400x64xf32, #tpu.memory_space<hbm>>
    tpu.wait_dma2 semaphore(%arg24 : memref<!tpu.dma_semaphore, #tpu.memory_space<semaphore_mem>>) src(%arg12 : memref<400x64xf32, #tpu.memory_space<vmem>>) dst(%dma_wait3A_183 : memref<400x64xf32, #tpu.memory_space<hbm>>)
    return
  }
}

</mosaic_0001>

<sc_bundles>
// kernel: kernel.3.cloned.1.call-start
scs
__scs_entry_jumppad:
0x0: {  	(pc) =	sbr.rel $0x88, $3  }
0x1: {  	(tag) =	ssettag $0x0;
	lr =	simm.s32 $0x1  }
0x2: {  	[smem:$0x3F9F] =	sst lr;
	_ =	strace $0xD0000000  }
0x3: {  	_ = 	snop  }
0x4: {  	_ = 	snop  }
0x5: {  	_ = 	snop  }
0x6: {  	_ = 	snop  }
0x7: {  	_ = 	snop  }
__scs_overlays_trampoline_lowered:
0x8: {  	[smem:$0x3FAE] =	sst s0  }
0x9: {  	[smem:$0x3FAF] =	sst s1  }
0xa: {  	[smem:$0x3FB0] =	sst s2  }
0xb: {  	[smem:$0x3FB1] =	sst s3  }
0xc: {  	[smem:$0x3FB2] =	sst s4  }
0xd: {  	[smem:$0x3FB3] =	sst s5  }
0xe: {  	[smem:$0x3FB4] =	sst s6  }
0xf: {  	[smem:$0x3FB5] =	sst s7  }
0x10: {  	[smem:$0x3FB6] =	sst s8  }
0x11: {  	[smem:$0x3FB7] =	sst s9;
	s0 =	simm.s32 @!p0 $0x0  }
0x12: {  	s1 =	sld [smem:$0x3F9D];
	s0 =	simm.s32 @p0 $0x1  }
0x13: {  	[smem:$0x3FB8] =	sst s0;
	s0 =	simm.s32 @!p1 $0x0  }
0x14: {  	s2 =	sld [smem:$0x3F9C];
	s0 =	simm.s32 @p1 $0x1  }
0x15: {  	[smem:$0x3FB9] =	sst s0;
	s0 =	simm.s32 @!p2 $0x0  }
0x16: {  	s3 =	sld [smem:$0x3FDB];
	s0 =	simm.s32 @p2 $0x1  }
0x17: {  	s4 =	simm.s32 $0x1BF5;
	[smem:$0x3FBB] =	sst s0  }
0x18: {  	s0 =	sld [smem:$0x3F9E];
	_ =	swait.ge [sflag:s4], $0x0  }
0x19: {  	s7 =	sld [smem:$0x3F9F]  }
0x1a: {  	s8 =	sadd.s32 $0xFFFFE003, lr  }
0x1b: {  	s9 =	sadd.s32 $0xFFFFFEF7, lr;
	s5 =	simm.s32 $0xFFFFFFFF;
	p2 =	slt.u32 s8, $0xFFFFF086  }
0x1c: {  	p1 =	slt.u32 s9, $0xF7A;
	s5 =	simm.s32 @!p2 $0x0  }
0x1d: {  	s5 =	simm.s32 @p1 $0x1;
	p0 =	seq.s32 s7, s2  }
0x1e: {  	s7 =	smul.u32 @!p0 $0xF7A, s2;
	p2 =	seq.s32 @!p0 s5, $0x0  }
0x1f: {  	s9 =	smul.u32 $0xF7A, s1;
	s8 =	simm.s32 @!p0 $0x1BF5;
	p2 =	por !p2, p0  }
0x20: {  	[sflag:s8] =	ssyncset.s32 @!p0 $0xFFFFF086;
	s6 =	sadd.s32 @!p0 s3, s7;
	s7 =	simm.s32 @!p0 $0x108  }
0x21: {  	s3 =	sadd.s32 s3, s9;
	s6 =	sadd.s32 @!p0 $0x88, s6;
	s7 =	simm.s32 @p2 $0x1082  }
0x22: {  	[simem:s7], [sflag:s8] =	dma.local @!p0 [hbm:s6], $0xF7A  }
0x23: {  	s9 =	sor.u32 $0xD0000000, s2;
	s6 =	simm.s32 $0x108;
	_ =	swait.ge @!p0 [sflag:s8], $0x0  }
0x24: {  	s3 =	sadd.s32 $0x88, s3;
	s6 =	simm.s32 @!p1 $0x1082;
	[sflag:s4] =	ssyncset.s32 $0xFFFFF086  }
0x25: {  	[simem:s6], [sflag:s4] =	dma.local [hbm:s3], $0xF7A  }
0x26: {  	[smem:$0x3F9F] =	sst s1;
	(tag) =	ssettag s2;
	_ =	strace s9  }
0x27: {  	s1 =	sld [smem:$0x3FAF]  }
0x28: {  	s2 =	sld [smem:$0x3FB0]  }
0x29: {  	s4 =	sld [smem:$0x3FB2]  }
0x2a: {  	p0 =	seq.s32 s5, $0x0;
	s5 =	sld [smem:$0x3FB3]  }
0x2b: {  	s6 =	sld [smem:$0x3FB4]  }
0x2c: {  	s7 =	sld [smem:$0x3FB5]  }
0x2d: {  	s3 =	simm.s32 $0x108;
	s8 =	sld [smem:$0x3FB6]  }
0x2e: {  	s3 =	simm.s32 @!p0 $0x1082;
	s9 =	sld [smem:$0x3FB7]  }
0x2f: {  	lr =	sadd.s32 s0, s3;
	s0 =	sld [smem:$0x3FAE]  }
0x30: {  	s3 =	sld [smem:$0x3FB1]  }
0x31: {  	[smem:$0x3FBA] =	sst s10  }
0x32: {  	s10 =	sld [smem:$0x3FB8];
	_ =	sdelay $0x3  }
0x33: {  	p0 =	seq.s32 s10, $0x1;
	s10 =	sld [smem:$0x3FBA];
	_ =	sdelay $0x3  }
0x34: {  	[smem:$0x3FBA] =	sst s10  }
0x35: {  	s10 =	sld [smem:$0x3FB9];
	_ =	sdelay $0x3  }
0x36: {  	p1 =	seq.s32 s10, $0x1;
	s10 =	sld [smem:$0x3FBA];
	_ =	sdelay $0x3  }
0x37: {  	[smem:$0x3FBA] =	sst s10  }
0x38: {  	s10 =	sld [smem:$0x3FBB]  }
0x39: {  	_ = 	snop;
	(pc) =	sbr.ind lr, $3  }
0x3a: {  	_ = 	snop  }
0x3b: {  	_ = 	snop  }
0x3c: {  	p2 =	seq.s32 s10, $0x1;
	s10 =	sld [smem:$0x3FBA]  }
0x3d: {  	_ =	shalt  }
0x3e: {  	_ =	shalt  }
0x3f: {  	_ =	shalt  }
0x40: {  	_ =	shalt  }
0x41: {  	_ =	shalt  }
0x42: {  	_ =	shalt  }
0x43: {  	_ =	shalt  }
0x44: {  	_ =	shalt  }
0x45: {  	_ =	shalt  }
0x46: {  	_ =	shalt  }
0x47: {  	_ =	shalt  }
0x48: {  	_ =	shalt  }
0x49: {  	_ =	shalt  }
0x4a: {  	_ =	shalt  }
0x4b: {  	_ =	shalt  }
0x4c: {  	_ =	shalt  }
0x4d: {  	_ =	shalt  }
0x4e: {  	_ =	shalt  }
0x4f: {  	_ =	shalt  }
0x50: {  	_ =	shalt  }
0x51: {  	_ =	shalt  }
0x52: {  	_ =	shalt  }
0x53: {  	_ =	shalt  }
0x54: {  	_ =	shalt  }
0x55: {  	_ =	shalt  }
0x56: {  	_ =	shalt  }
0x57: {  	_ =	shalt  }
0x58: {  	_ =	shalt  }
0x59: {  	_ =	shalt  }
0x5a: {  	_ =	shalt  }
0x5b: {  	_ =	shalt  }
0x5c: {  	_ =	shalt  }
0x5d: {  	_ =	shalt  }
0x5e: {  	_ =	shalt  }
0x5f: {  	_ =	shalt  }
0x60: {  	_ =	shalt  }
0x61: {  	_ =	shalt  }
0x62: {  	_ =	shalt  }
0x63: {  	_ =	shalt  }
0x64: {  	_ =	shalt  }
0x65: {  	_ =	shalt  }
0x66: {  	_ =	shalt  }
0x67: {  	_ =	shalt  }
0x68: {  	_ =	shalt  }
0x69: {  	_ =	shalt  }
0x6a: {  	_ =	shalt  }
0x6b: {  	_ =	shalt  }
0x6c: {  	_ =	shalt  }
0x6d: {  	_ =	shalt  }
0x6e: {  	_ =	shalt  }
0x6f: {  	_ =	shalt  }
0x70: {  	_ =	shalt  }
0x71: {  	_ =	shalt  }
0x72: {  	_ =	shalt  }
0x73: {  	_ =	shalt  }
0x74: {  	_ =	shalt  }
0x75: {  	_ =	shalt  }
0x76: {  	_ =	shalt  }
0x77: {  	_ =	shalt  }
0x78: {  	_ =	shalt  }
0x79: {  	_ =	shalt  }
0x7a: {  	_ =	shalt  }
0x7b: {  	_ =	shalt  }
0x7c: {  	_ =	shalt  }
0x7d: {  	_ =	shalt  }
0x7e: {  	_ =	shalt  }
0x7f: {  	_ =	shalt  }
0x80: {  	_ =	shalt  }
0x81: {  	_ =	shalt  }
0x82: {  	_ =	shalt  }
0x83: {  	_ =	shalt  }
0x84: {  	_ =	shalt  }
0x85: {  	_ =	shalt  }
0x86: {  	_ =	shalt  }
0x87: {  	_ =	shalt  }
.Lfunc_end0:
.L_simem_size_0:
called_computation_lowered:
.L_overlay_start_0:
0x88: {  	s2 =	sld [smem:$0x3FD9]  }
0x89: {  	s3 =	sld [smem:$0x3FFE];
	_ =	sdelay $0x1  }
0x8a: {  	s1 =	srdreg.scid  }
0x8b: {  	s0 =	sand.u32 $0x1, s1  }
0x8c: {  	s17 =	sshll.u32 s0, $0xA;
	s2 =	sadd.s32 s3, s2  }
0x8d: {  	s2 =	sadd.s32 s2, s17  }
0x8e: {  	[smem:$0x3FC6] =	sst s2  }
0x8f: {  	_ = 	snop  }
0x90: {  	s2 =	sld [smem:$0x3FD0];
	(tm) =	ssettm $0x1  }
0x91: {  	s18 =	sld [smem:$0x3FFB];
	_ =	sdelay $0x3  }
0x92: {  	_ =	strace s18  }
0x93: {  	s3 =	sld [smem:$0x3FFC];
	_ =	sdelay $0x3  }
0x94: {  	_ =	strace s3  }
0x95: {  	s3 =	sld [smem:$0x3FFD];
	_ =	sdelay $0x3  }
0x96: {  	_ =	strace s3  }
0x97: {  	_ =	strace $0x8FFFFFFF  }
0x98: {  	s19 =	sld [smem:$0x3FDB];
	_ =	sdelay $0x1  }
0x99: {  	s4 =	simm.s32 $_scs_section_size  }
0x9a: {  	s5 =	simm.s32 $_size__tile_overlayer_lowered;
	s6 =	simm.s32 $_tile_overlayer_lowered  }
0x9b: {  	s22 =	simm.s32 $0x1BFF;
	s21 =	sshll.u32 s6, $0x1;
	s3 =	sadd.s32 s4, s19  }
0x9c: {  	s7 =	simm.s32 $0x0;
	s20 =	sshll.u32 s5, $0x1;
	s5 =	sadd.s32 s21, s3  }
0x9d: {  	[timem:s7], [sflag:s22] =	dma.local [hbm:s5], s20  }
0x9e: {  	_ =	swait.ge [sflag:s22], s20  }
0x9f: {  	s4 =	ssub.s32 $0x0, s20;
	[sflag:s22] =	ssyncset.done $0x0  }
0xa0: {  	[sflag:s22] =	ssyncadd.s32 s4;
	_ =	sdelay $0x1  }
0xa1: {  	s23 =	simm.s32 $0x1B8B  }
0xa2: {  	_ =	swait.ge [sflag:s23], $0x1  }
0xa3: {  	[sflag:s23] =	ssyncset.done $0x0  }
0xa4: {  	s25 =	simm.s32 $0x1B8E;
	s24 =	sld [smem:$0x3FFE];
	[sflag:s23] =	ssyncadd.s32 $0xFFFFFFFF  }
0xa5: {  	s26 =	simm.s32 $execute0_lowered;
	[smem:$0x3FD2] =	sst s25  }
0xa6: {  	s5 =	sshll.u32 s26, $0x1;
	_ =	strace $0x80000046;
	[dreg:$0x1] =	wrdreg $0xFFFFFFFF  }
0xa7: {  	s28 =	simm.s32 $_size_execute0_lowered;
	s3 =	sadd.s32 s3, s5;
	[dreg:$0x0] =	wrdreg $0x0  }
0xa8: {  	s5 =	sshll.u32 s28, $0x1;
	[dreg:$0x2] =	wrdreg s3  }
0xa9: {  	[dreg:$0x3] =	wrdreg s5  }
0xaa: {  	[dreg:$0x4] =	wrdreg $0xC0  }
0xab: {  	_ =	task [dreg:s7], $0x5FFFF  }
0xac: {  	[dreg:$0x1] =	wrdreg $0xFFFFFFFF  }
0xad: {  	[dreg:$0x0] =	wrdreg $0x60  }
0xae: {  	[dreg:$0x2] =	wrdreg s2  }
0xaf: {  	[dreg:$0x3] =	wrdreg s24  }
0xb0: {  	[dreg:$0x4] =	wrdreg $0x196400  }
0xb1: {  	[dreg:$0x5] =	wrdreg $0x9  }
0xb2: {  	_ =	task.clear_ibuf [dreg:s7], $0x6FFFF;
	_ =	strace $0x90000046  }
0xb3: {  	s29 =	simm.s32 $0x9;
	_ =	strace $0x80000048  }
0xb4: {  	_ =	swait.ge [sflag:s29], $0x1  }
0xb5: {  	[sflag:s29] =	ssyncadd.s32 $0xFFFFFFFF  }
0xb6: {  	_ =	strace $0x90000048  }
0xb7: {  	_ =	sfence  }
0xb8: {  	s30 =	sld [smem:$0x0];
	_ =	sdelay $0x2  }
0xb9: {  	s31 =	sshll.u32 s1, $0xD;
	s1 =	sshrl.u32 s1, $0x2  }
0xba: {  	s3 =	sand.u32 $0x4000, s31;
	s1 =	sadd.s32 s1, s30  }
0xbb: {  	s0 =	sor.u32 s3, s0;
	s1 =	sshll.u32 s1, $0x11  }
0xbc: {  	s0 =	sor.u32 s1, s0  }
0xbd: {  	s0 =	sadd.s32 $0x8F2B, s0  }
0xbe: {  	[sflag:s0] =	ssyncadd.remote.s32 $0x1  }
0xbf: {  	_ =	sfence.sel $0xFFFF  }
0xc0: {  	[dreg:$0x0] =	wrdreg $0xFFFFFFFF;
	(pc) =	sbr.abs _section_cstart, $3  }
0xc1: {  	[dreg:$0x1] =	wrdreg $0xFFFFFFFF  }
0xc2: {  	_ =	task.clear_ibuf [dreg:s7], $0x2FFFF;
	_ =	strace $0x9FFFFFFF  }
0xc3: {  	(tm) =	ssettm $0x7FFFFFFF  }
tec
execute0_lowered:
.L_overlay_start_1:
0x0: {  	(tag) =	ssettag $0x1  }
0x1: {  	s3 =	rddreg [dreg:$0x0]  }
0x2: {  	s4 =	rddreg [dreg:$0x1];
	s2 =	srdreg.scid  }
0x3: {  	s0 =	stileid.u32;
	s1 =	rddreg [dreg:$0x2];
	s28 =	simm.s32 $0x4B0  }
0x4: {  	s29 =	simm.s32 $0x1;
	s30 =	simm.s32 $0x640;
	s31 =	simm.s32 $0x2  }
0x5: {  	s5 =	sand.u32 $0x1, s2;
	s6 =	sshll.u32 s0, $0x1;
	s2 =	simm.s32 $0x0  }
0x6: {  	s8 =	sadd.s32 $0x400, s4;
	s4 =	sadd.s32 $0x4400, s4;
	s26 =	smul.u32 $0xC800, s0  }
0x7: {  	s6 =	sor.u32 s5, s6;
	s19 =	ssub.s32 $0x2, s5;
	s5 =	smul.u32 $0x6400, s5  }
0x8: {  	p0 =	sne.s32 s0, $0x0;
	[smem:$0x7FF] =	sst s2;
	s7 =	smul.u32 $0x6400, s6  }
0x9: {  	s0 =	simm.s32 $0x6A40;
	_ =	strace $0x80000047;
	s20 =	smul.u32 $0x32000, s6  }
0xa: {  	[dreg:$0x8] =	wrdreg s8;
	s10 =	sshrl.u32 s19, $0x1;
	s6 =	smul.u32 $0x190000, s6  }
0xb: {  	s8 =	ssub.s32 s19, s10;
	s5 =	sadd.s32 s5, s26;
	s9 =	sshrl.u32 s7, $0x3  }
0xc: {  	s22 =	sadd.s32 $0x5F50, s7;
	s6 =	sshrl.u32 s6, $0x3;
	s25 =	sadd.s32 $0x60E0, s7  }
0xd: {  	s7 =	sadd.s32 $0x6270, s7;
	s16 =	sadd.s32 $0xC80, s5;
	s18 =	sadd.s32 $0xAF0, s5  }
0xe: {  	s11 =	sadd.s32 s3, s9;
	s23 =	sshrl.u32 s22, $0x3;
	s6 =	sadd.s32 s4, s6  }
0xf: {  	s14 =	sshrl.u32 s25, $0x3;
	s9 =	sadd.s32 $0x32, s11;
	[dreg:$0x9] =	wrdreg s11  }
0x10: {  	s10 =	sshll.u32 s22, $0x3;
	s21 =	sadd.s32 $0x64, s11;
	[dreg:$0xa] =	wrdreg s9  }
0x11: {  	s15 =	sshll.u32 s7, $0x3;
	s12 =	sadd.s32 $0x96, s11;
	[dreg:$0xb] =	wrdreg s21  }
0x12: {  	s17 =	sshrl.u32 s16, $0x3;
	s11 =	sadd.s32 $0xC8, s11;
	[dreg:$0xc] =	wrdreg s12  }
0x13: {  	s7 =	sshrl.u32 s7, $0x3;
	s24 =	sadd.s32 s3, s23;
	[dreg:$0xd] =	wrdreg s11  }
0x14: {  	s13 =	sadd.s32 $0x2C880, s6;
	s10 =	sadd.s32 s4, s10;
	[dreg:$0xf] =	wrdreg s24  }
0x15: {  	s22 =	sadd.s32 $0x2D500, s6;
	s7 =	sadd.s32 s3, s7;
	[dreg:$0x10] =	wrdreg s13  }
0x16: {  	s23 =	sadd.s32 $0x2E180, s6;
	s6 =	sadd.s32 $0x2EE00, s6;
	[dreg:$0x12] =	wrdreg s10  }
0x17: {  	s9 =	sadd.s32 s4, s20;
	s12 =	sadd.s32 s3, s14;
	[dreg:$0x16] =	wrdreg s22  }
0x18: {  	s11 =	sshll.u32 s5, $0x3;
	s10 =	sshrl.u32 s18, $0x3;
	[dreg:$0x17] =	wrdreg s7  }
0x19: {  	s20 =	sadd.s32 $0x960, s5;
	s5 =	sadd.s32 $0x7D0, s5;
	[dreg:$0x18] =	wrdreg s23  }
0x1a: {  	[dreg:$0x19] =	wrdreg s6;
	s24 =	smax.u32 s8, $0x1;
	s6 =	simm.s32 $0x4  }
0x1b: {  	s7 =	simm.s32 $0x13240;
	s8 =	simm.s32 $0x5;
	[dreg:$0xe] =	wrdreg s9  }
0x1c: {  	s13 =	simm.s32 $0xB;
	s14 =	simm.s32 $0x8;
	[dreg:$0x11] =	wrdreg s12  }
0x1d: {  	s9 =	sshll.u32 s25, $0x3;
	s10 =	sadd.s32 s10, s3;
	[dreg:$0x1a] =	wrdreg s24  }
0x1e: {  	s19 =	sadd.s32 $0x20002580, s11;
	s9 =	sadd.s32 s4, s9;
	[dreg:$0x5] =	wrdreg s10  }
0x1f: {  	s21 =	sshrl.u32 s20, $0x3;
	[dreg:$0x13] =	wrdreg s9;
	s9 =	sadd.s32 s4, s15  }
0x20: {  	s5 =	sshrl.u32 s5, $0x3;
	[dreg:$0x14] =	wrdreg s9;
	s9 =	sadd.s32 s17, s3  }
0x21: {  	s12 =	simm.s32 $0x7;
	[dreg:$0x4] =	wrdreg s9;
	s9 =	sand.u32 $0x1FFE580, s19  }
0x22: {  	s10 =	simm.s32 $0x6;
	s15 =	simm.s32 $0xC;
	s9 =	sadd.s32 s9, s4  }
0x23: {  	s4 =	sadd.s32 s4, s11;
	[dreg:$0x15] =	wrdreg s9;
	s9 =	sadd.s32 s21, s3  }
0x24: {  	s17 =	simm.s32 $0x0;
	s25 =	sadd.s32 $0x1900, s4;
	[dreg:$0x6] =	wrdreg s9  }
0x25: {  	s11 =	simm.s32 $0xA;
	s3 =	sadd.s32 s5, s3;
	[dreg:$0x1b] =	wrdreg s25  }
0x26: {  	s26 =	sadd.s32 $0xC80, s4;
	s16 =	sadd.s32 $0x3200, s4;
	[dreg:$0x7] =	wrdreg s3  }
0x27: {  	s5 =	simm.s32 $0xCE40;
	[dreg:$0x1c] =	wrdreg s26;
	s25 =	simm.s32 $0x190  }
0x28: {  	s26 =	simm.s32 $0x320;
	s3 =	simm.s32 $0x3;
	s9 =	simm.s32 $0x9  }
.LBB2_1:
0x29: {  	s4 =	sshrl.u32 @!p0 s1, $0x3;
	s18 =	simm.s32 @!p0 $0x1C0D;
	s19 =	rddreg [dreg:$0x8]  }
0x2a: {  	[spmem:s4], [sflag:s18] =	dma.local @!p0 [hbm:s19], $0x4000  }
0x2b: {  	s4 =	simm.s32 @!p0 $0xD  }
0x2c: {  	_ =	swait.ge @!p0 [sflag:s4], $0x4000  }
0x2d: {  	[sflag:s4] =	ssyncset.done @!p0 $0x0  }
0x2e: {  	[sflag:s4] =	ssyncadd.s32 @!p0 $0xFFFFC000  }
0x2f: {  	[bflag:$0x0] =	sbarrier.arrive $0xFFFF  }
0x30: {  	s20 =	rddreg [dreg:$0x9]  }
0x31: {  	[tilespmem:s2], [sflag:$0x1] =	stream.linear.gather [hbm4b:s20+s2], $0x190, $0x38;
	[tilespmem:$0x1B640] =	vst v63  }
0x32: {  	s21 =	rddreg [dreg:$0xa]  }
0x33: {  	[tilespmem:s25], [sflag:$0x2] =	stream.linear.gather [hbm4b:s21+s2], $0x190, $0x38;
	[tilespmem:$0x1B640] =	vst v63  }
0x34: {  	s22 =	rddreg [dreg:$0xb]  }
0x35: {  	[tilespmem:s26], [sflag:$0x3] =	stream.linear.gather [hbm4b:s22+s2], $0x190, $0x38;
	[tilespmem:$0x1B640] =	vst v63  }
0x36: {  	s23 =	rddreg [dreg:$0xc]  }
0x37: {  	[tilespmem:s28], [sflag:$0x4] =	stream.linear.gather [hbm4b:s23+s2], $0x190, $0x38;
	[tilespmem:$0x1B640] =	vst v63  }
0x38: {  	_ =	swait.ge [sflag:s29], $0x190  }
0x39: {  	[sflag:s29] =	ssyncset.done $0x0  }
0x3a: {  	[sflag:s29] =	ssyncadd.s32 $0xFFFFFE70  }
0x3b: {  	[tilespmem:s30], [sflag:$0x5] =	stream.indirect.gather [spmem:s1], $0x40, s2, s25, $0xb8;
	[tilespmem:$0x1B640] =	vst v63  }
0x3c: {  	_ =	swait.ge [sflag:s31], $0x190  }
0x3d: {  	[sflag:s31] =	ssyncset.done $0x0  }
0x3e: {  	[sflag:s31] =	ssyncadd.s32 $0xFFFFFE70  }
0x3f: {  	[tilespmem:s0], [sflag:$0x6] =	stream.indirect.gather [spmem:s1], $0x40, s25, s25, $0xb8;
	[tilespmem:$0x1B640] =	vst v63  }
0x40: {  	_ =	swait.ge [sflag:s3], $0x190  }
0x41: {  	[sflag:s3] =	ssyncset.done $0x0  }
0x42: {  	[sflag:s3] =	ssyncadd.s32 $0xFFFFFE70  }
0x43: {  	[tilespmem:s5], [sflag:$0x7] =	stream.indirect.gather [spmem:s1], $0x40, s26, s25, $0xb8;
	[tilespmem:$0x1B640] =	vst v63  }
0x44: {  	_ =	swait.ge [sflag:s6], $0x190  }
0x45: {  	[sflag:s6] =	ssyncset.done $0x0  }
0x46: {  	[sflag:s6] =	ssyncadd.s32 $0xFFFFFE70  }
0x47: {  	[tilespmem:s7], [sflag:$0x8] =	stream.indirect.gather [spmem:s1], $0x40, s28, s25, $0xb8;
	[tilespmem:$0x1B640] =	vst v63  }
0x48: {  	_ =	swait.ge [sflag:s8], $0x6400  }
0x49: {  	[sflag:s8] =	ssyncset.done $0x0  }
0x4a: {  	s24 =	rddreg [dreg:$0xd];
	[sflag:s8] =	ssyncadd.s32 $0xFFFF9C00  }
0x4b: {  	[tilespmem:s2], [sflag:$0x1] =	stream.linear.gather [hbm4b:s24+s2], $0x190, $0x38;
	[tilespmem:$0x1B640] =	vst v63  }
0x4c: {  	s18 =	rddreg [dreg:$0xe]  }
0x4d: {  	[hbm4b:s18+s2] =	stream.linear.scatter [tilespmem:s30], [sflag:$0x9], $0x6400, $0x38;
	[tilespmem:$0x1B640] =	vst v63  }
0x4e: {  	_ =	swait.ge [sflag:s9], $0x6400  }
0x4f: {  	[sflag:s9] =	ssyncset.done $0x0  }
0x50: {  	[sflag:s9] =	ssyncadd.s32 $0xFFFF9C00  }
0x51: {  	_ =	swait.ge [sflag:s29], $0x190  }
0x52: {  	[sflag:s29] =	ssyncset.done $0x0  }
0x53: {  	[sflag:s29] =	ssyncadd.s32 $0xFFFFFE70  }
0x54: {  	[tilespmem:s30], [sflag:$0x5] =	stream.indirect.gather [spmem:s1], $0x40, s2, s25, $0xb8;
	[tilespmem:$0x1B640] =	vst v63  }
0x55: {  	_ =	swait.ge [sflag:s10], $0x6400  }
0x56: {  	s19 =	rddreg [dreg:$0x7];
	[sflag:s10] =	ssyncset.done $0x0  }
0x57: {  	[sflag:s10] =	ssyncadd.s32 $0xFFFF9C00;
	s4 =	sadd.s32 $0x0, s19  }
0x58: {  	[tilespmem:s25], [sflag:$0x2] =	stream.linear.gather [hbm4b:s4+s2], $0x190, $0x38;
	[tilespmem:$0x1B640] =	vst v63  }
0x59: {  	s21 =	rddreg [dreg:$0x1c]  }
0x5a: {  	[hbm4b:s21+s2] =	stream.linear.scatter [tilespmem:s0], [sflag:$0xA], $0x6400, $0x38;
	[tilespmem:$0x1B640] =	vst v63  }
0x5b: {  	_ =	swait.ge [sflag:s11], $0x6400  }
0x5c: {  	[sflag:s11] =	ssyncset.done $0x0  }
0x5d: {  	[sflag:s11] =	ssyncadd.s32 $0xFFFF9C00  }
0x5e: {  	_ =	swait.ge [sflag:s31], $0x190  }
0x5f: {  	[sflag:s31] =	ssyncset.done $0x0  }
0x60: {  	[sflag:s31] =	ssyncadd.s32 $0xFFFFFE70  }
0x61: {  	[tilespmem:s0], [sflag:$0x6] =	stream.indirect.gather [spmem:s1], $0x40, s25, s25, $0xb8;
	[tilespmem:$0x1B640] =	vst v63  }
0x62: {  	_ =	swait.ge [sflag:s12], $0x6400  }
0x63: {  	s20 =	rddreg [dreg:$0x6];
	[sflag:s12] =	ssyncset.done $0x0  }
0x64: {  	[sflag:s12] =	ssyncadd.s32 $0xFFFF9C00;
	s4 =	sadd.s32 $0x0, s20  }
0x65: {  	[tilespmem:s26], [sflag:$0x3] =	stream.linear.gather [hbm4b:s4+s2], $0x190, $0x38;
	[tilespmem:$0x1B640] =	vst v63  }
0x66: {  	s20 =	rddreg [dreg:$0x1b]  }
0x67: {  	[hbm4b:s20+s2] =	stream.linear.scatter [tilespmem:s5], [sflag:$0xB], $0x6400, $0x38;
	[tilespmem:$0x1B640] =	vst v63  }
0x68: {  	_ =	swait.ge [sflag:s13], $0x6400  }
0x69: {  	[sflag:s13] =	ssyncset.done $0x0  }
0x6a: {  	[sflag:s13] =	ssyncadd.s32 $0xFFFF9C00  }
0x6b: {  	_ =	swait.ge [sflag:s3], $0x190  }
0x6c: {  	[sflag:s3] =	ssyncset.done $0x0  }
0x6d: {  	[sflag:s3] =	ssyncadd.s32 $0xFFFFFE70  }
0x6e: {  	[tilespmem:s5], [sflag:$0x7] =	stream.indirect.gather [spmem:s1], $0x40, s26, s25, $0xb8;
	[tilespmem:$0x1B640] =	vst v63  }
0x6f: {  	_ =	swait.ge [sflag:s14], $0x6400  }
0x70: {  	s22 =	rddreg [dreg:$0x5];
	[sflag:s14] =	ssyncset.done $0x0  }
0x71: {  	[sflag:s14] =	ssyncadd.s32 $0xFFFF9C00;
	s4 =	sadd.s32 $0x0, s22  }
0x72: {  	[tilespmem:s28], [sflag:$0x4] =	stream.linear.gather [hbm4b:s4+s2], $0x190, $0x38;
	[tilespmem:$0x1B640] =	vst v63  }
0x73: {  	s23 =	rddreg [dreg:$0x15]  }
0x74: {  	[hbm4b:s23+s2] =	stream.linear.scatter [tilespmem:s7], [sflag:$0xC], $0x6400, $0x38;
	[tilespmem:$0x1B640] =	vst v63  }
0x75: {  	_ =	swait.ge [sflag:s15], $0x6400  }
0x76: {  	[sflag:s15] =	ssyncset.done $0x0  }
0x77: {  	[sflag:s15] =	ssyncadd.s32 $0xFFFF9C00  }
0x78: {  	_ =	swait.ge [sflag:s6], $0x190  }
0x79: {  	[sflag:s6] =	ssyncset.done $0x0  }
0x7a: {  	[sflag:s6] =	ssyncadd.s32 $0xFFFFFE70  }
0x7b: {  	[tilespmem:s7], [sflag:$0x8] =	stream.indirect.gather [spmem:s1], $0x40, s28, s25, $0xb8;
	[tilespmem:$0x1B640] =	vst v63  }
0x7c: {  	s18 =	sadd.s32 $0x3200, s16;
	_ =	swait.ge [sflag:s8], $0x6400  }
0x7d: {  	s21 =	sadd.s32 $0x3200, s21;
	s24 =	rddreg [dreg:$0x4];
	[sflag:s8] =	ssyncset.done $0x0  }
0x7e: {  	s20 =	sadd.s32 $0x3200, s20;
	[sflag:s8] =	ssyncadd.s32 $0xFFFF9C00;
	s4 =	sadd.s32 $0x0, s24  }
0x7f: {  	[tilespmem:s2], [sflag:$0x1] =	stream.linear.gather [hbm4b:s4+s2], $0x190, $0x38;
	[tilespmem:$0x1B640] =	vst v63  }
0x80: {  	s19 =	sadd.s32 $0x3200, s23;
	s24 =	smov.u32 s16;
	s4 =	simm.s32 $0xC8  }
.LBB2_2:
0x81: {  	[hbm4b:s24+s2] =	stream.linear.scatter [tilespmem:s30], [sflag:$0x9], $0x6400, $0x38;
	[tilespmem:$0x1B640] =	vst v63  }
0x82: {  	_ =	swait.ge [sflag:s9], $0x6400  }
0x83: {  	[sflag:s9] =	ssyncset.done $0x0  }
0x84: {  	[sflag:s9] =	ssyncadd.s32 $0xFFFF9C00  }
0x85: {  	_ =	swait.ge [sflag:s29], $0x190  }
0x86: {  	[sflag:s29] =	ssyncset.done $0x0  }
0x87: {  	[sflag:s29] =	ssyncadd.s32 $0xFFFFFE70  }
0x88: {  	[tilespmem:s30], [sflag:$0x5] =	stream.indirect.gather [spmem:s1], $0x40, s2, s25, $0xb8;
	[tilespmem:$0x1B640] =	vst v63  }
0x89: {  	_ =	swait.ge [sflag:s10], $0x6400  }
0x8a: {  	s22 =	smov.u32 s4;
	s23 =	rddreg [dreg:$0x7];
	[sflag:s10] =	ssyncset.done $0x0  }
0x8b: {  	[sflag:s10] =	ssyncadd.s32 $0xFFFF9C00;
	s23 =	sadd.s32 s22, s23  }
0x8c: {  	[tilespmem:s25], [sflag:$0x2] =	stream.linear.gather [hbm4b:s23+s2], $0x190, $0x38;
	[tilespmem:$0x1B640] =	vst v63  }
0x8d: {  	_ = 	snop  }
0x8e: {  	[hbm4b:s21+s2] =	stream.linear.scatter [tilespmem:s0], [sflag:$0xA], $0x6400, $0x38;
	[tilespmem:$0x1B640] =	vst v63  }
0x8f: {  	_ =	swait.ge [sflag:s11], $0x6400  }
0x90: {  	[sflag:s11] =	ssyncset.done $0x0  }
0x91: {  	[sflag:s11] =	ssyncadd.s32 $0xFFFF9C00  }
0x92: {  	_ =	swait.ge [sflag:s31], $0x190  }
0x93: {  	[sflag:s31] =	ssyncset.done $0x0  }
0x94: {  	[sflag:s31] =	ssyncadd.s32 $0xFFFFFE70  }
0x95: {  	[tilespmem:s0], [sflag:$0x6] =	stream.indirect.gather [spmem:s1], $0x40, s25, s25, $0xb8;
	[tilespmem:$0x1B640] =	vst v63  }
0x96: {  	_ =	swait.ge [sflag:s12], $0x6400  }
0x97: {  	s23 =	rddreg [dreg:$0x6];
	[sflag:s12] =	ssyncset.done $0x0  }
0x98: {  	[sflag:s12] =	ssyncadd.s32 $0xFFFF9C00;
	s23 =	sadd.s32 s22, s23  }
0x99: {  	[tilespmem:s26], [sflag:$0x3] =	stream.linear.gather [hbm4b:s23+s2], $0x190, $0x38;
	[tilespmem:$0x1B640] =	vst v63  }
0x9a: {  	_ = 	snop  }
0x9b: {  	[hbm4b:s20+s2] =	stream.linear.scatter [tilespmem:s5], [sflag:$0xB], $0x6400, $0x38;
	[tilespmem:$0x1B640] =	vst v63  }
0x9c: {  	_ =	swait.ge [sflag:s13], $0x6400  }
0x9d: {  	[sflag:s13] =	ssyncset.done $0x0  }
0x9e: {  	[sflag:s13] =	ssyncadd.s32 $0xFFFF9C00  }
0x9f: {  	_ =	swait.ge [sflag:s3], $0x190  }
0xa0: {  	[sflag:s3] =	ssyncset.done $0x0  }
0xa1: {  	[sflag:s3] =	ssyncadd.s32 $0xFFFFFE70  }
0xa2: {  	[tilespmem:s5], [sflag:$0x7] =	stream.indirect.gather [spmem:s1], $0x40, s26, s25, $0xb8;
	[tilespmem:$0x1B640] =	vst v63  }
0xa3: {  	_ =	swait.ge [sflag:s14], $0x6400  }
0xa4: {  	s23 =	rddreg [dreg:$0x5];
	[sflag:s14] =	ssyncset.done $0x0  }
0xa5: {  	[sflag:s14] =	ssyncadd.s32 $0xFFFF9C00;
	s23 =	sadd.s32 s22, s23  }
0xa6: {  	[tilespmem:s28], [sflag:$0x4] =	stream.linear.gather [hbm4b:s23+s2], $0x190, $0x38;
	[tilespmem:$0x1B640] =	vst v63  }
0xa7: {  	_ = 	snop  }
0xa8: {  	[hbm4b:s19+s2] =	stream.linear.scatter [tilespmem:s7], [sflag:$0xC], $0x6400, $0x38;
	[tilespmem:$0x1B640] =	vst v63  }
0xa9: {  	_ =	swait.ge [sflag:s15], $0x6400  }
0xaa: {  	[sflag:s15] =	ssyncset.done $0x0  }
0xab: {  	[sflag:s15] =	ssyncadd.s32 $0xFFFF9C00  }
0xac: {  	_ =	swait.ge [sflag:s6], $0x190  }
0xad: {  	[sflag:s6] =	ssyncset.done $0x0  }
0xae: {  	p1 =	sne.s32 s4, $0xA28;
	[sflag:s6] =	ssyncadd.s32 $0xFFFFFE70  }
0xaf: {  	[tilespmem:s7], [sflag:$0x8] =	stream.indirect.gather [spmem:s1], $0x40, s28, s25, $0xb8;
	[tilespmem:$0x1B640] =	vst v63  }
.Ltmp0:
0xb0: {  	s24 =	smov.u32 s18;
	s4 =	sadd.s32 $0xC8, s4;
	(pc) =	sbr.rel @p1 .LBB2_2-.Ltmp0, $4  }
0xb1: {  	s18 =	sadd.s32 $0x3200, s18;
	s21 =	sadd.s32 $0x3200, s21;
	_ =	swait.ge [sflag:s8], $0x6400  }
0xb2: {  	s20 =	sadd.s32 $0x3200, s20;
	s23 =	rddreg [dreg:$0x4];
	[sflag:s8] =	ssyncset.done $0x0  }
0xb3: {  	s19 =	sadd.s32 $0x3200, s19;
	[sflag:s8] =	ssyncadd.s32 $0xFFFF9C00;
	s22 =	sadd.s32 s22, s23  }
0xb4: {  	[tilespmem:s2], [sflag:$0x1] =	stream.linear.gather [hbm4b:s22+s2], $0x190, $0x38;
	[tilespmem:$0x1B640] =	vst v63  }
0xb5: {  	[hbm4b:s24+s2] =	stream.linear.scatter [tilespmem:s30], [sflag:$0x9], $0x6400, $0x38;
	[tilespmem:$0x1B640] =	vst v63  }
0xb6: {  	_ =	swait.ge [sflag:s9], $0x6400  }
0xb7: {  	[sflag:s9] =	ssyncset.done $0x0  }
0xb8: {  	[sflag:s9] =	ssyncadd.s32 $0xFFFF9C00  }
0xb9: {  	_ =	swait.ge [sflag:s29], $0x190  }
0xba: {  	[sflag:s29] =	ssyncset.done $0x0  }
0xbb: {  	[sflag:s29] =	ssyncadd.s32 $0xFFFFFE70  }
0xbc: {  	[tilespmem:s30], [sflag:$0x5] =	stream.indirect.gather [spmem:s1], $0x40, s2, s25, $0xb8;
	[tilespmem:$0x1B640] =	vst v63  }
0xbd: {  	_ =	swait.ge [sflag:s10], $0x6400  }
0xbe: {  	[sflag:s10] =	ssyncset.done $0x0  }
0xbf: {  	s4 =	rddreg [dreg:$0xf];
	[sflag:s10] =	ssyncadd.s32 $0xFFFF9C00  }
0xc0: {  	[tilespmem:s25], [sflag:$0x2] =	stream.linear.gather [hbm4b:s4+s2], $0x190, $0x38;
	[tilespmem:$0x1B640] =	vst v63  }
0xc1: {  	s22 =	rddreg [dreg:$0x10]  }
0xc2: {  	[hbm4b:s22+s2] =	stream.linear.scatter [tilespmem:s0], [sflag:$0xA], $0x6400, $0x38;
	[tilespmem:$0x1B640] =	vst v63  }
0xc3: {  	_ =	swait.ge [sflag:s11], $0x6400  }
0xc4: {  	[sflag:s11] =	ssyncset.done $0x0  }
0xc5: {  	[sflag:s11] =	ssyncadd.s32 $0xFFFF9C00  }
0xc6: {  	_ =	swait.ge [sflag:s31], $0x190  }
0xc7: {  	[sflag:s31] =	ssyncset.done $0x0  }
0xc8: {  	[sflag:s31] =	ssyncadd.s32 $0xFFFFFE70  }
0xc9: {  	[tilespmem:s0], [sflag:$0x6] =	stream.indirect.gather [spmem:s1], $0x40, s25, s25, $0xb8;
	[tilespmem:$0x1B640] =	vst v63  }
0xca: {  	_ =	swait.ge [sflag:s12], $0x6400  }
0xcb: {  	[sflag:s12] =	ssyncset.done $0x0  }
0xcc: {  	s23 =	rddreg [dreg:$0x11];
	[sflag:s12] =	ssyncadd.s32 $0xFFFF9C00  }
0xcd: {  	[tilespmem:s26], [sflag:$0x3] =	stream.linear.gather [hbm4b:s23+s2], $0x190, $0x38;
	[tilespmem:$0x1B640] =	vst v63  }
0xce: {  	s24 =	rddreg [dreg:$0x16]  }
0xcf: {  	[hbm4b:s24+s2] =	stream.linear.scatter [tilespmem:s5], [sflag:$0xB], $0x6400, $0x38;
	[tilespmem:$0x1B640] =	vst v63  }
0xd0: {  	_ =	swait.ge [sflag:s13], $0x6400  }
0xd1: {  	[sflag:s13] =	ssyncset.done $0x0  }
0xd2: {  	[sflag:s13] =	ssyncadd.s32 $0xFFFF9C00  }
0xd3: {  	_ =	swait.ge [sflag:s3], $0x190  }
0xd4: {  	[sflag:s3] =	ssyncset.done $0x0  }
0xd5: {  	[sflag:s3] =	ssyncadd.s32 $0xFFFFFE70  }
0xd6: {  	[tilespmem:s5], [sflag:$0x7] =	stream.indirect.gather [spmem:s1], $0x40, s26, s25, $0xb8;
	[tilespmem:$0x1B640] =	vst v63  }
0xd7: {  	_ =	swait.ge [sflag:s14], $0x6400  }
0xd8: {  	[sflag:s14] =	ssyncset.done $0x0  }
0xd9: {  	s18 =	rddreg [dreg:$0x17];
	[sflag:s14] =	ssyncadd.s32 $0xFFFF9C00  }
0xda: {  	[tilespmem:s28], [sflag:$0x4] =	stream.linear.gather [hbm4b:s18+s2], $0x190, $0x38;
	[tilespmem:$0x1B640] =	vst v63  }
0xdb: {  	s19 =	rddreg [dreg:$0x18]  }
0xdc: {  	[hbm4b:s19+s2] =	stream.linear.scatter [tilespmem:s7], [sflag:$0xC], $0x6400, $0x38;
	[tilespmem:$0x1B640] =	vst v63  }
0xdd: {  	_ =	swait.ge [sflag:s15], $0x6400  }
0xde: {  	[sflag:s15] =	ssyncset.done $0x0  }
0xdf: {  	[sflag:s15] =	ssyncadd.s32 $0xFFFF9C00  }
0xe0: {  	_ =	swait.ge [sflag:s6], $0x190  }
0xe1: {  	[sflag:s6] =	ssyncset.done $0x0  }
0xe2: {  	[sflag:s6] =	ssyncadd.s32 $0xFFFFFE70  }
0xe3: {  	[tilespmem:s7], [sflag:$0x8] =	stream.indirect.gather [spmem:s1], $0x40, s28, s25, $0xb8;
	[tilespmem:$0x1B640] =	vst v63  }
0xe4: {  	_ =	swait.ge [sflag:s8], $0x6400  }
0xe5: {  	[sflag:s8] =	ssyncset.done $0x0  }
0xe6: {  	s20 =	rddreg [dreg:$0x19];
	[sflag:s8] =	ssyncadd.s32 $0xFFFF9C00  }
0xe7: {  	[hbm4b:s20+s2] =	stream.linear.scatter [tilespmem:s30], [sflag:$0x9], $0x6400, $0x38;
	[tilespmem:$0x1B640] =	vst v63  }
0xe8: {  	_ =	swait.ge [sflag:s10], $0x6400  }
0xe9: {  	[sflag:s10] =	ssyncset.done $0x0  }
0xea: {  	s21 =	rddreg [dreg:$0x12];
	[sflag:s10] =	ssyncadd.s32 $0xFFFF9C00  }
0xeb: {  	[hbm4b:s21+s2] =	stream.linear.scatter [tilespmem:s0], [sflag:$0xA], $0x6400, $0x38;
	[tilespmem:$0x1B640] =	vst v63  }
0xec: {  	_ =	swait.ge [sflag:s12], $0x6400  }
0xed: {  	[sflag:s12] =	ssyncset.done $0x0  }
0xee: {  	s22 =	rddreg [dreg:$0x13];
	[sflag:s12] =	ssyncadd.s32 $0xFFFF9C00  }
0xef: {  	[hbm4b:s22+s2] =	stream.linear.scatter [tilespmem:s5], [sflag:$0xB], $0x6400, $0x38;
	[tilespmem:$0x1B640] =	vst v63  }
0xf0: {  	_ =	swait.ge [sflag:s14], $0x6400  }
0xf1: {  	[sflag:s14] =	ssyncset.done $0x0  }
0xf2: {  	s23 =	rddreg [dreg:$0x14];
	[sflag:s14] =	ssyncadd.s32 $0xFFFF9C00  }
0xf3: {  	[hbm4b:s23+s2] =	stream.linear.scatter [tilespmem:s7], [sflag:$0xC], $0x6400, $0x38;
	[tilespmem:$0x1B640] =	vst v63  }
0xf4: {  	_ =	swait.ge [sflag:s9], $0x6400  }
0xf5: {  	[sflag:s9] =	ssyncset.done $0x0  }
0xf6: {  	[sflag:s9] =	ssyncadd.s32 $0xFFFF9C00  }
0xf7: {  	_ =	swait.ge [sflag:s11], $0x6400  }
0xf8: {  	[sflag:s11] =	ssyncset.done $0x0  }
0xf9: {  	[sflag:s11] =	ssyncadd.s32 $0xFFFF9C00  }
0xfa: {  	_ =	swait.ge [sflag:s13], $0x6400  }
0xfb: {  	[sflag:s13] =	ssyncset.done $0x0  }
0xfc: {  	[sflag:s13] =	ssyncadd.s32 $0xFFFF9C00  }
0xfd: {  	_ =	swait.ge [sflag:s15], $0x6400  }
0xfe: {  	s17 =	sadd.s32 $0x1, s17;
	s24 =	rddreg [dreg:$0x1a]  }
0xff: {  	p1 =	sne.s32 s17, s24  }
.Ltmp1:
0x100: {  	_ = 	snop;
	(pc) =	sbr.rel @p1 .LBB2_1-.Ltmp1, $3  }
0x101: {  	_ =	sdelay $0x1  }
0x102: {  	[sflag:s15] =	ssyncset.done $0x0  }
0x103: {  	[sflag:s15] =	ssyncadd.s32 $0xFFFF9C00  }
0x104: {  	_ =	sfence.sel $0x180000  }
0x105: {  	[bflag:$0x0] =	sbarrier.arrive $0xFFFF  }
0x106: {  	_ =	strace $0x90000047  }
0x107: {  	[bflag:$0x2] =	sbarrier.arrive $0xFFFF  }
0x108: {  	s0 =	rddreg [dreg:$0x3]  }
0x109: {  	s0 =	sadd.s32 @!p0 $0x100000, s0  }
0x10a: {  	[sflag:s0] =	ssyncadd.tile.s32 @!p0 $0x1;
	_ =	shalt  }
.Lfunc_end2:
_tile_overlayer_lowered:
.L_overlay_start_2:
0x10b: {  	(tag) =	ssettag $0x2  }
0x10c: {  	s0 =	rddreg [dreg:$0x0];
	s2 =	stileid.u32  }
0x10d: {  	s1 =	rddreg [dreg:$0x1];
	p0 =	sne.s32 s2, $0x0  }
0x10e: {  	s3 =	rddreg [dreg:$0x2];
	[bflag:$0x3] =	sbarrier.arrive $0xFFFF;
	s2 =	simm.s32 @!p0 $0x1C0D  }
0x10f: {  	[timem:s3], [sflag:s2] =	dma.local @!p0 [hbm:s0], s1  }
0x110: {  	s0 =	simm.s32 @!p0 $0xD  }
0x111: {  	_ =	swait.ge @!p0 [sflag:s0], s1  }
0x112: {  	s1 =	ssub.s32 @!p0 $0x0, s1;
	[sflag:s0] =	ssyncset.done @!p0 $0x0  }
0x113: {  	[sflag:s0] =	ssyncadd.s32 @!p0 s1  }
0x114: {  	[bflag:$0x3] =	sbarrier.arrive $0xFFFF  }
0x115: {  	_ =	shalt  }

</sc_bundles>
